<compile_context>
chip_gen: v7x
topology: tpu7x:2x2x1
jax: 0.10.2.dev20260603
libtpu: 0.0.44.dev20260713+nightly
codegen_flags: <defaults>
</compile_context>

<pallas_src>
import functools

import jax
import jax.numpy as jnp
from jax import lax
from jax.experimental import pallas as pl
from jax.experimental.pallas import tpu as pltpu
from jax.experimental.pallas import tpu_sc as plsc

SEQ = 200
EMBED_DIM = 64
BATCH = 4096

_info = plsc.get_sparse_core_info()
_NC, _NS = _info.num_cores, _info.num_subcores
_NW = _NC * _NS
_B_PER_W = 8

_sc_mesh = plsc.VectorSubcoreMesh(core_axis_name="c", subcore_axis_name="s")


@functools.partial(
    pl.kernel,
    mesh=_sc_mesh,
    out_type=jax.ShapeDtypeStruct((SEQ, 2), jnp.float32),
    scratch_types=[
        pltpu.VMEM((_B_PER_W, 128), jnp.int32),
        pltpu.VMEM((2, EMBED_DIM), jnp.float32),
        pltpu.VMEM((16,), jnp.float32),
        pltpu.VMEM((_B_PER_W, EMBED_DIM, 128), jnp.float32),
        pltpu.VMEM((_B_PER_W, 2), jnp.float32),
        pltpu.SemaphoreType.DMA,
        pltpu.SemaphoreType.DMA,
    ],
    compiler_params=pltpu.CompilerParams(
        use_tc_tiling_on_sc=True, needs_layout_passes=False
    ),
)
def _sc_embed_linear(
    sent_t_hbm,
    table_t_hbm,
    w_hbm,
    b_hbm,
    out_hbm,
    sent_v,
    w_v,
    b_v,
    stripes_v,
    y_v,
    sem,
    sem2,
):
    wid = lax.axis_index("s") * _NC + lax.axis_index("c")
    base = wid * _B_PER_W

    @pl.when(base < SEQ)
    def _():
        col_blk = (BATCH // 128 - 1) * 128
        s_cp = pltpu.async_copy(
            sent_t_hbm.at[pl.ds(base, _B_PER_W), pl.ds(col_blk, 128)], sent_v, sem2
        )
        w_cp = pltpu.async_copy(w_hbm, w_v, sem2)
        b_cp = pltpu.async_copy(b_hbm, b_v.at[pl.ds(0, 2)], sem2)
        lane = lax.iota(jnp.int32, 16)
        row_mask = lane < _B_PER_W
        s_cp.wait()
        idx_vec = plsc.load_gather(
            sent_v, [lane, jnp.full((16,), 127, jnp.int32)], mask=row_mask
        )
        copies = []
        for j in range(_B_PER_W):
            col0 = pl.multiple_of((idx_vec[j] // 128) * 128, 128)
            copies.append(
                pltpu.async_copy(
                    table_t_hbm.at[:, pl.ds(col0, 128)], stripes_v.at[j], sem
                )
            )
        w_cp.wait()
        b_cp.wait()
        for cp in copies:
            cp.wait()
        col_vec = idx_vec % 128
        zeros = jnp.zeros((16,), jnp.float32)
        zeros_i = jnp.zeros((16,), jnp.int32)
        ones_i = zeros_i + 1
        b_vec = b_v[...]

        def body(d, carry):
            a0, a1 = carry
            dvec = jnp.full((16,), d, jnp.int32)
            vals = plsc.load_gather(
                stripes_v, [lane, dvec, col_vec], mask=row_mask
            )
            w0v = plsc.load_gather(w_v, [zeros_i, dvec])
            w1v = plsc.load_gather(w_v, [ones_i, dvec])
            return a0 + vals * w0v, a1 + vals * w1v

        acc0, acc1 = lax.fori_loop(0, EMBED_DIM, body, (zeros, zeros))
        acc0 = acc0 + b_vec[0]
        acc1 = acc1 + b_vec[1]
        col0i = jnp.zeros((16,), jnp.int32)
        plsc.store_scatter(y_v, [lane, col0i], acc0, mask=row_mask)
        plsc.store_scatter(y_v, [lane, col0i + 1], acc1, mask=row_mask)
        pltpu.sync_copy(y_v, out_hbm.at[pl.ds(base, _B_PER_W)])


def kernel(sentence, emb_table, W, b):
    return _sc_embed_linear(sentence.T.astype(jnp.int32), emb_table.T, W, b)

# --- scband reference (transcript-rebuilt; emitter-appended) ---
"""Pipeline reference for scband-liner-regression-34265249087544 (READ-ONLY COPY).

The authoritative reference and input builder live on the scoring server;
editing this copy changes nothing except your own understanding.
"""

import jax, jax.numpy as jnp
import numpy as np

VOCAB = 1000000
EMBED_DIM = 64
BATCH = 4096
SEQ = 200

def setup_inputs(seed: int = 0) -> dict:
    key = jax.random.key(seed)
    k1, k2, k3, k4 = jax.random.split(key, 4)
    sentence = jax.random.randint(k1, (BATCH, SEQ), 0, VOCAB, dtype=jnp.int64) if jax.config.jax_enable_x64 else jax.random.randint(k1, (BATCH, SEQ), 0, VOCAB, dtype=jnp.int32)
    emb_table = jax.random.normal(k2, (VOCAB, EMBED_DIM), dtype=jnp.float32)
    # torch nn.Linear(EMBED_DIM, 2): weight [2, EMBED_DIM], bias [2]
    bound = 1.0 / np.sqrt(EMBED_DIM)
    W = jax.random.uniform(k3, (2, EMBED_DIM), minval=-bound, maxval=bound, dtype=jnp.float32)
    b = jax.random.uniform(k4, (2,), minval=-bound, maxval=bound, dtype=jnp.float32)
    return {"sentence": sentence, "emb_table": emb_table, "W": W, "b": b}

def reference(sentence, emb_table, W, b):
    # embeds = self.word_embeddings(sentence)  -> [B, S, D]
    embeds = jnp.take(emb_table, sentence, axis=0)
    # y = self.hidden1label(embeds[-1])        -> last batch row [S, D] -> [S, 2]
    last = embeds[-1]
    y = last @ W.T + b
    return y

if __name__ == "__main__":
    import jax
    _d = setup_inputs()
    print(jax.jit(kernel)(*tuple(_d.values())))

</pallas_src>

<mosaic_0001>
#map = affine_map<(d0, d1) -> (0, 0)>
#map1 = affine_map<(d0, d1) -> (0)>
module attributes {stable_mosaic.version = 14 : i64} {
  func.func @_sc_embed_linear(%arg0: i32, %arg1: i32, %arg2: memref<200x4096xi32, #tpu.memory_space<hbm>>, %arg3: memref<64x1000000xf32, #tpu.memory_space<hbm>>, %arg4: memref<2x64xf32, #tpu.memory_space<hbm>>, %arg5: memref<2xf32, #tpu.memory_space<hbm>>, %arg6: memref<200x2xf32, #tpu.memory_space<hbm>>, %arg7: memref<8x128xi32, #tpu.memory_space<vmem>>, %arg8: memref<2x64xf32, #tpu.memory_space<vmem>>, %arg9: memref<16xf32, #tpu.memory_space<vmem>>, %arg10: memref<8x64x128xf32, #tpu.memory_space<vmem>>, %arg11: memref<8x2xf32, #tpu.memory_space<vmem>>, %arg12: memref<!tpu.dma_semaphore, #tpu.memory_space<semaphore_mem>>, %arg13: memref<!tpu.dma_semaphore, #tpu.memory_space<semaphore_mem>>) attributes {dimension_semantics = [#tpu.dimension_semantics<core_parallel>, #tpu.dimension_semantics<subcore_parallel>], iteration_bounds = array<i64: 2, 16>, scalar_prefetch = 0 : i64, scratch_operands = 7 : i64, tpu.core_type = #tpu.core_type<sc_vector_subcore>, window_params = [{transform_indices = #map}, {transform_indices = #map}, {transform_indices = #map}, {transform_indices = #map1}, {transform_indices = #map}]} {
    %mul3A = arith.constant 2 : i32
    %mul3A_0 = arith.muli %arg1, %mul3A : i32
    %add3A = arith.addi %mul3A_0, %arg0 : i32
    %mul3A_1 = arith.constant 8 : i32
    %mul3A_2 = arith.muli %add3A, %mul3A_1 : i32
    %lt3A = arith.constant 200 : i32
    %lt3A_3 = arith.cmpi slt, %mul3A_2, %lt3A : i32
    %convert_element_type3A = arith.extui %lt3A_3 : i1 to i32
    %cond3A = arith.constant 0 : i32
    %cond3A_4 = arith.cmpi ne, %convert_element_type3A, %cond3A : i32
    scf.if %cond3A_4 {
      %dma_start3A = arith.constant 3968 : i32
      %dma_start3A_5 = tpu.memref_slice %arg2[%mul3A_2, %dma_start3A] : memref<200x4096xi32, #tpu.memory_space<hbm>> -> memref<8x128xi32, #tpu.memory_space<hbm>>
      %dma_start3A_6 = arith.constant 3968 : i32
      %dma_start3A_7 = tpu.memref_slice %arg2[%mul3A_2, %dma_start3A_6] : memref<200x4096xi32, #tpu.memory_space<hbm>> -> memref<8x128xi32, #tpu.memory_space<hbm>>
      tpu.enqueue_dma source(%dma_start3A_7 : memref<8x128xi32, #tpu.memory_space<hbm>>) target(%arg7 : memref<8x128xi32, #tpu.memory_space<vmem>>) target_semaphore(%arg13 : memref<!tpu.dma_semaphore, #tpu.memory_space<semaphore_mem>>)
      tpu.enqueue_dma source(%arg4 : memref<2x64xf32, #tpu.memory_space<hbm>>) target(%arg8 : memref<2x64xf32, #tpu.memory_space<vmem>>) target_semaphore(%arg13 : memref<!tpu.dma_semaphore, #tpu.memory_space<semaphore_mem>>)
      %dma_start3A_8 = arith.constant 0 : i32
      %dma_start3A_9 = tpu.memref_slice %arg9[%dma_start3A_8] : memref<16xf32, #tpu.memory_space<vmem>> -> memref<2xf32, #tpu.memory_space<vmem>>
      %dma_start3A_10 = arith.constant 0 : i32
      %dma_start3A_11 = tpu.memref_slice %arg9[%dma_start3A_10] : memref<16xf32, #tpu.memory_space<vmem>> -> memref<2xf32, #tpu.memory_space<vmem>>
      tpu.enqueue_dma source(%arg5 : memref<2xf32, #tpu.memory_space<hbm>>) target(%dma_start3A_11 : memref<2xf32, #tpu.memory_space<vmem>>) target_semaphore(%arg13 : memref<!tpu.dma_semaphore, #tpu.memory_space<semaphore_mem>>)
      %iota3A = tpu.iota {dimensions = array<i32: 0>} : vector<16xi32>
      %lt3A_12 = arith.constant 8 : i32
      %lt3A_13 = vector.broadcast %lt3A_12 : i32 to vector<16xi32>
      %lt3A_14 = arith.cmpi slt, %iota3A, %lt3A_13 : vector<16xi32>
      %dma_wait3A = arith.constant 3968 : i32
      %dma_wait3A_15 = tpu.memref_slice %arg2[%mul3A_2, %dma_wait3A] : memref<200x4096xi32, #tpu.memory_space<hbm>> -> memref<8x128xi32, #tpu.memory_space<hbm>>
      %dma_wait3A_16 = arith.constant 3968 : i32
      %dma_wait3A_17 = tpu.memref_slice %arg2[%mul3A_2, %dma_wait3A_16] : memref<200x4096xi32, #tpu.memory_space<hbm>> -> memref<8x128xi32, #tpu.memory_space<hbm>>
      tpu.wait_dma2 semaphore(%arg13 : memref<!tpu.dma_semaphore, #tpu.memory_space<semaphore_mem>>) src(%dma_wait3A_17 : memref<8x128xi32, #tpu.memory_space<hbm>>) dst(%arg7 : memref<8x128xi32, #tpu.memory_space<vmem>>)
      %broadcast_in_dim3A = arith.constant 127 : i32
      %broadcast_in_dim3A_18 = vector.broadcast %broadcast_in_dim3A : i32 to vector<16xi32>
      %gather3A = tpu.vector_load_idx %arg7[%iota3A, %broadcast_in_dim3A_18] masked %lt3A_14 : memref<8x128xi32, #tpu.memory_space<vmem>>[vector<16xi32>, vector<16xi32>], vector<16xi32>, vector<16xi1>
      %slice3A = vector.extract_strided_slice %gather3A {offsets = [0], sizes = [1], strides = [1]} : vector<16xi32> to vector<1xi32>
      %squeeze3A = vector.extract %slice3A[0] : i32 from vector<1xi32>
      %jit3A = arith.constant 128 : i32
      %div3A = arith.divsi %squeeze3A, %jit3A : i32
      %sign3A = arith.constant 0 : i32
      %sign3A_19 = arith.cmpi sgt, %squeeze3A, %sign3A : i32
      %sign3A_20 = arith.extui %sign3A_19 : i1 to i32
      %sign3A_21 = arith.constant 0 : i32
      %sign3A_22 = arith.cmpi slt, %squeeze3A, %sign3A_21 : i32
      %sign3A_23 = arith.extui %sign3A_22 : i1 to i32
      %sign3A_24 = arith.subi %sign3A_20, %sign3A_23 : i32
      %sign3A_25 = arith.constant 0 : i32
      %sign3A_26 = arith.cmpi sgt, %jit3A, %sign3A_25 : i32
      %sign3A_27 = arith.extui %sign3A_26 : i1 to i32
      %sign3A_28 = arith.constant 0 : i32
      %sign3A_29 = arith.cmpi slt, %jit3A, %sign3A_28 : i32
      %sign3A_30 = arith.extui %sign3A_29 : i1 to i32
      %sign3A_31 = arith.subi %sign3A_27, %sign3A_30 : i32
      %ne3A = arith.cmpi ne, %sign3A_24, %sign3A_31 : i32
      %rem3A = arith.remsi %squeeze3A, %jit3A : i32
      %ne3A_32 = arith.constant 0 : i32
      %ne3A_33 = arith.cmpi ne, %rem3A, %ne3A_32 : i32
      %and3A = arith.andi %ne3A, %ne3A_33 : i1
      %sub3A = arith.constant 1 : i32
      %sub3A_34 = arith.subi %div3A, %sub3A : i32
      %select_n3A = arith.select %and3A, %sub3A_34, %div3A : i32
      %mul3A_35 = arith.constant 128 : i32
      %mul3A_36 = arith.muli %select_n3A, %mul3A_35 : i32
      %multiple_of3A = tpu.assume_multiple %mul3A_36, 128 : i32
      %dma_start3A_37 = arith.constant 0 : i32
      %dma_start3A_38 = arith.constant 0 : i32
      %dma_start3A_39 = arith.constant 0 : i32
      %dma_start3A_40 = tpu.memref_slice %arg10[%dma_start3A_37, %dma_start3A_38, %dma_start3A_39] : memref<8x64x128xf32, #tpu.memory_space<vmem>> -> memref<1x64x128xf32, #tpu.memory_space<vmem>>
      %dma_start3A_41 = tpu.memref_squeeze %dma_start3A_40 : memref<1x64x128xf32, #tpu.memory_space<vmem>> -> memref<64x128xf32, #tpu.memory_space<vmem>>
      %dma_start3A_42 = arith.constant 0 : i32
      %dma_start3A_43 = tpu.memref_slice %arg3[%dma_start3A_42, %multiple_of3A] : memref<64x1000000xf32, #tpu.memory_space<hbm>> -> memref<64x128xf32, #tpu.memory_space<hbm>>
      %dma_start3A_44 = arith.constant 0 : i32
      %dma_start3A_45 = arith.constant 0 : i32
      %dma_start3A_46 = tpu.memref_slice %arg10[%dma_start3A_37, %dma_start3A_44, %dma_start3A_45] : memref<8x64x128xf32, #tpu.memory_space<vmem>> -> memref<1x64x128xf32, #tpu.memory_space<vmem>>
      %dma_start3A_47 = tpu.memref_squeeze %dma_start3A_46 : memref<1x64x128xf32, #tpu.memory_space<vmem>> -> memref<64x128xf32, #tpu.memory_space<vmem>>
      %dma_start3A_48 = arith.constant 0 : i32
      %dma_start3A_49 = tpu.memref_slice %arg3[%dma_start3A_48, %multiple_of3A] : memref<64x1000000xf32, #tpu.memory_space<hbm>> -> memref<64x128xf32, #tpu.memory_space<hbm>>
      tpu.enqueue_dma source(%dma_start3A_49 : memref<64x128xf32, #tpu.memory_space<hbm>>) target(%dma_start3A_47 : memref<64x128xf32, #tpu.memory_space<vmem>>) target_semaphore(%arg12 : memref<!tpu.dma_semaphore, #tpu.memory_space<semaphore_mem>>)
      %slice3A_50 = vector.extract_strided_slice %gather3A {offsets = [1], sizes = [1], strides = [1]} : vector<16xi32> to vector<1xi32>
      %squeeze3A_51 = vector.extract %slice3A_50[0] : i32 from vector<1xi32>
      %jit3A_52 = arith.constant 128 : i32
      %div3A_53 = arith.divsi %squeeze3A_51, %jit3A_52 : i32
      %sign3A_54 = arith.constant 0 : i32
      %sign3A_55 = arith.cmpi sgt, %squeeze3A_51, %sign3A_54 : i32
      %sign3A_56 = arith.extui %sign3A_55 : i1 to i32
      %sign3A_57 = arith.constant 0 : i32
      %sign3A_58 = arith.cmpi slt, %squeeze3A_51, %sign3A_57 : i32
      %sign3A_59 = arith.extui %sign3A_58 : i1 to i32
      %sign3A_60 = arith.subi %sign3A_56, %sign3A_59 : i32
      %sign3A_61 = arith.constant 0 : i32
      %sign3A_62 = arith.cmpi sgt, %jit3A_52, %sign3A_61 : i32
      %sign3A_63 = arith.extui %sign3A_62 : i1 to i32
      %sign3A_64 = arith.constant 0 : i32
      %sign3A_65 = arith.cmpi slt, %jit3A_52, %sign3A_64 : i32
      %sign3A_66 = arith.extui %sign3A_65 : i1 to i32
      %sign3A_67 = arith.subi %sign3A_63, %sign3A_66 : i32
      %ne3A_68 = arith.cmpi ne, %sign3A_60, %sign3A_67 : i32
      %rem3A_69 = arith.remsi %squeeze3A_51, %jit3A_52 : i32
      %ne3A_70 = arith.constant 0 : i32
      %ne3A_71 = arith.cmpi ne, %rem3A_69, %ne3A_70 : i32
      %and3A_72 = arith.andi %ne3A_68, %ne3A_71 : i1
      %sub3A_73 = arith.constant 1 : i32
      %sub3A_74 = arith.subi %div3A_53, %sub3A_73 : i32
      %select_n3A_75 = arith.select %and3A_72, %sub3A_74, %div3A_53 : i32
      %mul3A_76 = arith.constant 128 : i32
      %mul3A_77 = arith.muli %select_n3A_75, %mul3A_76 : i32
      %multiple_of3A_78 = tpu.assume_multiple %mul3A_77, 128 : i32
      %dma_start3A_79 = arith.constant 1 : i32
      %dma_start3A_80 = arith.constant 0 : i32
      %dma_start3A_81 = arith.constant 0 : i32
      %dma_start3A_82 = tpu.memref_slice %arg10[%dma_start3A_79, %dma_start3A_80, %dma_start3A_81] : memref<8x64x128xf32, #tpu.memory_space<vmem>> -> memref<1x64x128xf32, #tpu.memory_space<vmem>>
      %dma_start3A_83 = tpu.memref_squeeze %dma_start3A_82 : memref<1x64x128xf32, #tpu.memory_space<vmem>> -> memref<64x128xf32, #tpu.memory_space<vmem>>
      %dma_start3A_84 = arith.constant 0 : i32
      %dma_start3A_85 = tpu.memref_slice %arg3[%dma_start3A_84, %multiple_of3A_78] : memref<64x1000000xf32, #tpu.memory_space<hbm>> -> memref<64x128xf32, #tpu.memory_space<hbm>>
      %dma_start3A_86 = arith.constant 0 : i32
      %dma_start3A_87 = arith.constant 0 : i32
      %dma_start3A_88 = tpu.memref_slice %arg10[%dma_start3A_79, %dma_start3A_86, %dma_start3A_87] : memref<8x64x128xf32, #tpu.memory_space<vmem>> -> memref<1x64x128xf32, #tpu.memory_space<vmem>>
      %dma_start3A_89 = tpu.memref_squeeze %dma_start3A_88 : memref<1x64x128xf32, #tpu.memory_space<vmem>> -> memref<64x128xf32, #tpu.memory_space<vmem>>
      %dma_start3A_90 = arith.constant 0 : i32
      %dma_start3A_91 = tpu.memref_slice %arg3[%dma_start3A_90, %multiple_of3A_78] : memref<64x1000000xf32, #tpu.memory_space<hbm>> -> memref<64x128xf32, #tpu.memory_space<hbm>>
      tpu.enqueue_dma source(%dma_start3A_91 : memref<64x128xf32, #tpu.memory_space<hbm>>) target(%dma_start3A_89 : memref<64x128xf32, #tpu.memory_space<vmem>>) target_semaphore(%arg12 : memref<!tpu.dma_semaphore, #tpu.memory_space<semaphore_mem>>)
      %slice3A_92 = vector.extract_strided_slice %gather3A {offsets = [2], sizes = [1], strides = [1]} : vector<16xi32> to vector<1xi32>
      %squeeze3A_93 = vector.extract %slice3A_92[0] : i32 from vector<1xi32>
      %jit3A_94 = arith.constant 128 : i32
      %div3A_95 = arith.divsi %squeeze3A_93, %jit3A_94 : i32
      %sign3A_96 = arith.constant 0 : i32
      %sign3A_97 = arith.cmpi sgt, %squeeze3A_93, %sign3A_96 : i32
      %sign3A_98 = arith.extui %sign3A_97 : i1 to i32
      %sign3A_99 = arith.constant 0 : i32
      %sign3A_100 = arith.cmpi slt, %squeeze3A_93, %sign3A_99 : i32
      %sign3A_101 = arith.extui %sign3A_100 : i1 to i32
      %sign3A_102 = arith.subi %sign3A_98, %sign3A_101 : i32
      %sign3A_103 = arith.constant 0 : i32
      %sign3A_104 = arith.cmpi sgt, %jit3A_94, %sign3A_103 : i32
      %sign3A_105 = arith.extui %sign3A_104 : i1 to i32
      %sign3A_106 = arith.constant 0 : i32
      %sign3A_107 = arith.cmpi slt, %jit3A_94, %sign3A_106 : i32
      %sign3A_108 = arith.extui %sign3A_107 : i1 to i32
      %sign3A_109 = arith.subi %sign3A_105, %sign3A_108 : i32
      %ne3A_110 = arith.cmpi ne, %sign3A_102, %sign3A_109 : i32
      %rem3A_111 = arith.remsi %squeeze3A_93, %jit3A_94 : i32
      %ne3A_112 = arith.constant 0 : i32
      %ne3A_113 = arith.cmpi ne, %rem3A_111, %ne3A_112 : i32
      %and3A_114 = arith.andi %ne3A_110, %ne3A_113 : i1
      %sub3A_115 = arith.constant 1 : i32
      %sub3A_116 = arith.subi %div3A_95, %sub3A_115 : i32
      %select_n3A_117 = arith.select %and3A_114, %sub3A_116, %div3A_95 : i32
      %mul3A_118 = arith.constant 128 : i32
      %mul3A_119 = arith.muli %select_n3A_117, %mul3A_118 : i32
      %multiple_of3A_120 = tpu.assume_multiple %mul3A_119, 128 : i32
      %dma_start3A_121 = arith.constant 2 : i32
      %dma_start3A_122 = arith.constant 0 : i32
      %dma_start3A_123 = arith.constant 0 : i32
      %dma_start3A_124 = tpu.memref_slice %arg10[%dma_start3A_121, %dma_start3A_122, %dma_start3A_123] : memref<8x64x128xf32, #tpu.memory_space<vmem>> -> memref<1x64x128xf32, #tpu.memory_space<vmem>>
      %dma_start3A_125 = tpu.memref_squeeze %dma_start3A_124 : memref<1x64x128xf32, #tpu.memory_space<vmem>> -> memref<64x128xf32, #tpu.memory_space<vmem>>
      %dma_start3A_126 = arith.constant 0 : i32
      %dma_start3A_127 = tpu.memref_slice %arg3[%dma_start3A_126, %multiple_of3A_120] : memref<64x1000000xf32, #tpu.memory_space<hbm>> -> memref<64x128xf32, #tpu.memory_space<hbm>>
      %dma_start3A_128 = arith.constant 0 : i32
      %dma_start3A_129 = arith.constant 0 : i32
      %dma_start3A_130 = tpu.memref_slice %arg10[%dma_start3A_121, %dma_start3A_128, %dma_start3A_129] : memref<8x64x128xf32, #tpu.memory_space<vmem>> -> memref<1x64x128xf32, #tpu.memory_space<vmem>>
      %dma_start3A_131 = tpu.memref_squeeze %dma_start3A_130 : memref<1x64x128xf32, #tpu.memory_space<vmem>> -> memref<64x128xf32, #tpu.memory_space<vmem>>
      %dma_start3A_132 = arith.constant 0 : i32
      %dma_start3A_133 = tpu.memref_slice %arg3[%dma_start3A_132, %multiple_of3A_120] : memref<64x1000000xf32, #tpu.memory_space<hbm>> -> memref<64x128xf32, #tpu.memory_space<hbm>>
      tpu.enqueue_dma source(%dma_start3A_133 : memref<64x128xf32, #tpu.memory_space<hbm>>) target(%dma_start3A_131 : memref<64x128xf32, #tpu.memory_space<vmem>>) target_semaphore(%arg12 : memref<!tpu.dma_semaphore, #tpu.memory_space<semaphore_mem>>)
      %slice3A_134 = vector.extract_strided_slice %gather3A {offsets = [3], sizes = [1], strides = [1]} : vector<16xi32> to vector<1xi32>
      %squeeze3A_135 = vector.extract %slice3A_134[0] : i32 from vector<1xi32>
      %jit3A_136 = arith.constant 128 : i32
      %div3A_137 = arith.divsi %squeeze3A_135, %jit3A_136 : i32
      %sign3A_138 = arith.constant 0 : i32
      %sign3A_139 = arith.cmpi sgt, %squeeze3A_135, %sign3A_138 : i32
      %sign3A_140 = arith.extui %sign3A_139 : i1 to i32
      %sign3A_141 = arith.constant 0 : i32
      %sign3A_142 = arith.cmpi slt, %squeeze3A_135, %sign3A_141 : i32
      %sign3A_143 = arith.extui %sign3A_142 : i1 to i32
      %sign3A_144 = arith.subi %sign3A_140, %sign3A_143 : i32
      %sign3A_145 = arith.constant 0 : i32
      %sign3A_146 = arith.cmpi sgt, %jit3A_136, %sign3A_145 : i32
      %sign3A_147 = arith.extui %sign3A_146 : i1 to i32
      %sign3A_148 = arith.constant 0 : i32
      %sign3A_149 = arith.cmpi slt, %jit3A_136, %sign3A_148 : i32
      %sign3A_150 = arith.extui %sign3A_149 : i1 to i32
      %sign3A_151 = arith.subi %sign3A_147, %sign3A_150 : i32
      %ne3A_152 = arith.cmpi ne, %sign3A_144, %sign3A_151 : i32
      %rem3A_153 = arith.remsi %squeeze3A_135, %jit3A_136 : i32
      %ne3A_154 = arith.constant 0 : i32
      %ne3A_155 = arith.cmpi ne, %rem3A_153, %ne3A_154 : i32
      %and3A_156 = arith.andi %ne3A_152, %ne3A_155 : i1
      %sub3A_157 = arith.constant 1 : i32
      %sub3A_158 = arith.subi %div3A_137, %sub3A_157 : i32
      %select_n3A_159 = arith.select %and3A_156, %sub3A_158, %div3A_137 : i32
      %mul3A_160 = arith.constant 128 : i32
      %mul3A_161 = arith.muli %select_n3A_159, %mul3A_160 : i32
      %multiple_of3A_162 = tpu.assume_multiple %mul3A_161, 128 : i32
      %dma_start3A_163 = arith.constant 3 : i32
      %dma_start3A_164 = arith.constant 0 : i32
      %dma_start3A_165 = arith.constant 0 : i32
      %dma_start3A_166 = tpu.memref_slice %arg10[%dma_start3A_163, %dma_start3A_164, %dma_start3A_165] : memref<8x64x128xf32, #tpu.memory_space<vmem>> -> memref<1x64x128xf32, #tpu.memory_space<vmem>>
      %dma_start3A_167 = tpu.memref_squeeze %dma_start3A_166 : memref<1x64x128xf32, #tpu.memory_space<vmem>> -> memref<64x128xf32, #tpu.memory_space<vmem>>
      %dma_start3A_168 = arith.constant 0 : i32
      %dma_start3A_169 = tpu.memref_slice %arg3[%dma_start3A_168, %multiple_of3A_162] : memref<64x1000000xf32, #tpu.memory_space<hbm>> -> memref<64x128xf32, #tpu.memory_space<hbm>>
      %dma_start3A_170 = arith.constant 0 : i32
      %dma_start3A_171 = arith.constant 0 : i32
      %dma_start3A_172 = tpu.memref_slice %arg10[%dma_start3A_163, %dma_start3A_170, %dma_start3A_171] : memref<8x64x128xf32, #tpu.memory_space<vmem>> -> memref<1x64x128xf32, #tpu.memory_space<vmem>>
      %dma_start3A_173 = tpu.memref_squeeze %dma_start3A_172 : memref<1x64x128xf32, #tpu.memory_space<vmem>> -> memref<64x128xf32, #tpu.memory_space<vmem>>
      %dma_start3A_174 = arith.constant 0 : i32
      %dma_start3A_175 = tpu.memref_slice %arg3[%dma_start3A_174, %multiple_of3A_162] : memref<64x1000000xf32, #tpu.memory_space<hbm>> -> memref<64x128xf32, #tpu.memory_space<hbm>>
      tpu.enqueue_dma source(%dma_start3A_175 : memref<64x128xf32, #tpu.memory_space<hbm>>) target(%dma_start3A_173 : memref<64x128xf32, #tpu.memory_space<vmem>>) target_semaphore(%arg12 : memref<!tpu.dma_semaphore, #tpu.memory_space<semaphore_mem>>)
      %slice3A_176 = vector.extract_strided_slice %gather3A {offsets = [4], sizes = [1], strides = [1]} : vector<16xi32> to vector<1xi32>
      %squeeze3A_177 = vector.extract %slice3A_176[0] : i32 from vector<1xi32>
      %jit3A_178 = arith.constant 128 : i32
      %div3A_179 = arith.divsi %squeeze3A_177, %jit3A_178 : i32
      %sign3A_180 = arith.constant 0 : i32
      %sign3A_181 = arith.cmpi sgt, %squeeze3A_177, %sign3A_180 : i32
      %sign3A_182 = arith.extui %sign3A_181 : i1 to i32
      %sign3A_183 = arith.constant 0 : i32
      %sign3A_184 = arith.cmpi slt, %squeeze3A_177, %sign3A_183 : i32
      %sign3A_185 = arith.extui %sign3A_184 : i1 to i32
      %sign3A_186 = arith.subi %sign3A_182, %sign3A_185 : i32
      %sign3A_187 = arith.constant 0 : i32
      %sign3A_188 = arith.cmpi sgt, %jit3A_178, %sign3A_187 : i32
      %sign3A_189 = arith.extui %sign3A_188 : i1 to i32
      %sign3A_190 = arith.constant 0 : i32
      %sign3A_191 = arith.cmpi slt, %jit3A_178, %sign3A_190 : i32
      %sign3A_192 = arith.extui %sign3A_191 : i1 to i32
      %sign3A_193 = arith.subi %sign3A_189, %sign3A_192 : i32
      %ne3A_194 = arith.cmpi ne, %sign3A_186, %sign3A_193 : i32
      %rem3A_195 = arith.remsi %squeeze3A_177, %jit3A_178 : i32
      %ne3A_196 = arith.constant 0 : i32
      %ne3A_197 = arith.cmpi ne, %rem3A_195, %ne3A_196 : i32
      %and3A_198 = arith.andi %ne3A_194, %ne3A_197 : i1
      %sub3A_199 = arith.constant 1 : i32
      %sub3A_200 = arith.subi %div3A_179, %sub3A_199 : i32
      %select_n3A_201 = arith.select %and3A_198, %sub3A_200, %div3A_179 : i32
      %mul3A_202 = arith.constant 128 : i32
      %mul3A_203 = arith.muli %select_n3A_201, %mul3A_202 : i32
      %multiple_of3A_204 = tpu.assume_multiple %mul3A_203, 128 : i32
      %dma_start3A_205 = arith.constant 4 : i32
      %dma_start3A_206 = arith.constant 0 : i32
      %dma_start3A_207 = arith.constant 0 : i32
      %dma_start3A_208 = tpu.memref_slice %arg10[%dma_start3A_205, %dma_start3A_206, %dma_start3A_207] : memref<8x64x128xf32, #tpu.memory_space<vmem>> -> memref<1x64x128xf32, #tpu.memory_space<vmem>>
      %dma_start3A_209 = tpu.memref_squeeze %dma_start3A_208 : memref<1x64x128xf32, #tpu.memory_space<vmem>> -> memref<64x128xf32, #tpu.memory_space<vmem>>
      %dma_start3A_210 = arith.constant 0 : i32
      %dma_start3A_211 = tpu.memref_slice %arg3[%dma_start3A_210, %multiple_of3A_204] : memref<64x1000000xf32, #tpu.memory_space<hbm>> -> memref<64x128xf32, #tpu.memory_space<hbm>>
      %dma_start3A_212 = arith.constant 0 : i32
      %dma_start3A_213 = arith.constant 0 : i32
      %dma_start3A_214 = tpu.memref_slice %arg10[%dma_start3A_205, %dma_start3A_212, %dma_start3A_213] : memref<8x64x128xf32, #tpu.memory_space<vmem>> -> memref<1x64x128xf32, #tpu.memory_space<vmem>>
      %dma_start3A_215 = tpu.memref_squeeze %dma_start3A_214 : memref<1x64x128xf32, #tpu.memory_space<vmem>> -> memref<64x128xf32, #tpu.memory_space<vmem>>
      %dma_start3A_216 = arith.constant 0 : i32
      %dma_start3A_217 = tpu.memref_slice %arg3[%dma_start3A_216, %multiple_of3A_204] : memref<64x1000000xf32, #tpu.memory_space<hbm>> -> memref<64x128xf32, #tpu.memory_space<hbm>>
      tpu.enqueue_dma source(%dma_start3A_217 : memref<64x128xf32, #tpu.memory_space<hbm>>) target(%dma_start3A_215 : memref<64x128xf32, #tpu.memory_space<vmem>>) target_semaphore(%arg12 : memref<!tpu.dma_semaphore, #tpu.memory_space<semaphore_mem>>)
      %slice3A_218 = vector.extract_strided_slice %gather3A {offsets = [5], sizes = [1], strides = [1]} : vector<16xi32> to vector<1xi32>
      %squeeze3A_219 = vector.extract %slice3A_218[0] : i32 from vector<1xi32>
      %jit3A_220 = arith.constant 128 : i32
      %div3A_221 = arith.divsi %squeeze3A_219, %jit3A_220 : i32
      %sign3A_222 = arith.constant 0 : i32
      %sign3A_223 = arith.cmpi sgt, %squeeze3A_219, %sign3A_222 : i32
      %sign3A_224 = arith.extui %sign3A_223 : i1 to i32
      %sign3A_225 = arith.constant 0 : i32
      %sign3A_226 = arith.cmpi slt, %squeeze3A_219, %sign3A_225 : i32
      %sign3A_227 = arith.extui %sign3A_226 : i1 to i32
      %sign3A_228 = arith.subi %sign3A_224, %sign3A_227 : i32
      %sign3A_229 = arith.constant 0 : i32
      %sign3A_230 = arith.cmpi sgt, %jit3A_220, %sign3A_229 : i32
      %sign3A_231 = arith.extui %sign3A_230 : i1 to i32
      %sign3A_232 = arith.constant 0 : i32
      %sign3A_233 = arith.cmpi slt, %jit3A_220, %sign3A_232 : i32
      %sign3A_234 = arith.extui %sign3A_233 : i1 to i32
      %sign3A_235 = arith.subi %sign3A_231, %sign3A_234 : i32
      %ne3A_236 = arith.cmpi ne, %sign3A_228, %sign3A_235 : i32
      %rem3A_237 = arith.remsi %squeeze3A_219, %jit3A_220 : i32
      %ne3A_238 = arith.constant 0 : i32
      %ne3A_239 = arith.cmpi ne, %rem3A_237, %ne3A_238 : i32
      %and3A_240 = arith.andi %ne3A_236, %ne3A_239 : i1
      %sub3A_241 = arith.constant 1 : i32
      %sub3A_242 = arith.subi %div3A_221, %sub3A_241 : i32
      %select_n3A_243 = arith.select %and3A_240, %sub3A_242, %div3A_221 : i32
      %mul3A_244 = arith.constant 128 : i32
      %mul3A_245 = arith.muli %select_n3A_243, %mul3A_244 : i32
      %multiple_of3A_246 = tpu.assume_multiple %mul3A_245, 128 : i32
      %dma_start3A_247 = arith.constant 5 : i32
      %dma_start3A_248 = arith.constant 0 : i32
      %dma_start3A_249 = arith.constant 0 : i32
      %dma_start3A_250 = tpu.memref_slice %arg10[%dma_start3A_247, %dma_start3A_248, %dma_start3A_249] : memref<8x64x128xf32, #tpu.memory_space<vmem>> -> memref<1x64x128xf32, #tpu.memory_space<vmem>>
      %dma_start3A_251 = tpu.memref_squeeze %dma_start3A_250 : memref<1x64x128xf32, #tpu.memory_space<vmem>> -> memref<64x128xf32, #tpu.memory_space<vmem>>
      %dma_start3A_252 = arith.constant 0 : i32
      %dma_start3A_253 = tpu.memref_slice %arg3[%dma_start3A_252, %multiple_of3A_246] : memref<64x1000000xf32, #tpu.memory_space<hbm>> -> memref<64x128xf32, #tpu.memory_space<hbm>>
      %dma_start3A_254 = arith.constant 0 : i32
      %dma_start3A_255 = arith.constant 0 : i32
      %dma_start3A_256 = tpu.memref_slice %arg10[%dma_start3A_247, %dma_start3A_254, %dma_start3A_255] : memref<8x64x128xf32, #tpu.memory_space<vmem>> -> memref<1x64x128xf32, #tpu.memory_space<vmem>>
      %dma_start3A_257 = tpu.memref_squeeze %dma_start3A_256 : memref<1x64x128xf32, #tpu.memory_space<vmem>> -> memref<64x128xf32, #tpu.memory_space<vmem>>
      %dma_start3A_258 = arith.constant 0 : i32
      %dma_start3A_259 = tpu.memref_slice %arg3[%dma_start3A_258, %multiple_of3A_246] : memref<64x1000000xf32, #tpu.memory_space<hbm>> -> memref<64x128xf32, #tpu.memory_space<hbm>>
      tpu.enqueue_dma source(%dma_start3A_259 : memref<64x128xf32, #tpu.memory_space<hbm>>) target(%dma_start3A_257 : memref<64x128xf32, #tpu.memory_space<vmem>>) target_semaphore(%arg12 : memref<!tpu.dma_semaphore, #tpu.memory_space<semaphore_mem>>)
      %slice3A_260 = vector.extract_strided_slice %gather3A {offsets = [6], sizes = [1], strides = [1]} : vector<16xi32> to vector<1xi32>
      %squeeze3A_261 = vector.extract %slice3A_260[0] : i32 from vector<1xi32>
      %jit3A_262 = arith.constant 128 : i32
      %div3A_263 = arith.divsi %squeeze3A_261, %jit3A_262 : i32
      %sign3A_264 = arith.constant 0 : i32
      %sign3A_265 = arith.cmpi sgt, %squeeze3A_261, %sign3A_264 : i32
      %sign3A_266 = arith.extui %sign3A_265 : i1 to i32
      %sign3A_267 = arith.constant 0 : i32
      %sign3A_268 = arith.cmpi slt, %squeeze3A_261, %sign3A_267 : i32
      %sign3A_269 = arith.extui %sign3A_268 : i1 to i32
      %sign3A_270 = arith.subi %sign3A_266, %sign3A_269 : i32
      %sign3A_271 = arith.constant 0 : i32
      %sign3A_272 = arith.cmpi sgt, %jit3A_262, %sign3A_271 : i32
      %sign3A_273 = arith.extui %sign3A_272 : i1 to i32
      %sign3A_274 = arith.constant 0 : i32
      %sign3A_275 = arith.cmpi slt, %jit3A_262, %sign3A_274 : i32
      %sign3A_276 = arith.extui %sign3A_275 : i1 to i32
      %sign3A_277 = arith.subi %sign3A_273, %sign3A_276 : i32
      %ne3A_278 = arith.cmpi ne, %sign3A_270, %sign3A_277 : i32
      %rem3A_279 = arith.remsi %squeeze3A_261, %jit3A_262 : i32
      %ne3A_280 = arith.constant 0 : i32
      %ne3A_281 = arith.cmpi ne, %rem3A_279, %ne3A_280 : i32
      %and3A_282 = arith.andi %ne3A_278, %ne3A_281 : i1
      %sub3A_283 = arith.constant 1 : i32
      %sub3A_284 = arith.subi %div3A_263, %sub3A_283 : i32
      %select_n3A_285 = arith.select %and3A_282, %sub3A_284, %div3A_263 : i32
      %mul3A_286 = arith.constant 128 : i32
      %mul3A_287 = arith.muli %select_n3A_285, %mul3A_286 : i32
      %multiple_of3A_288 = tpu.assume_multiple %mul3A_287, 128 : i32
      %dma_start3A_289 = arith.constant 6 : i32
      %dma_start3A_290 = arith.constant 0 : i32
      %dma_start3A_291 = arith.constant 0 : i32
      %dma_start3A_292 = tpu.memref_slice %arg10[%dma_start3A_289, %dma_start3A_290, %dma_start3A_291] : memref<8x64x128xf32, #tpu.memory_space<vmem>> -> memref<1x64x128xf32, #tpu.memory_space<vmem>>
      %dma_start3A_293 = tpu.memref_squeeze %dma_start3A_292 : memref<1x64x128xf32, #tpu.memory_space<vmem>> -> memref<64x128xf32, #tpu.memory_space<vmem>>
      %dma_start3A_294 = arith.constant 0 : i32
      %dma_start3A_295 = tpu.memref_slice %arg3[%dma_start3A_294, %multiple_of3A_288] : memref<64x1000000xf32, #tpu.memory_space<hbm>> -> memref<64x128xf32, #tpu.memory_space<hbm>>
      %dma_start3A_296 = arith.constant 0 : i32
      %dma_start3A_297 = arith.constant 0 : i32
      %dma_start3A_298 = tpu.memref_slice %arg10[%dma_start3A_289, %dma_start3A_296, %dma_start3A_297] : memref<8x64x128xf32, #tpu.memory_space<vmem>> -> memref<1x64x128xf32, #tpu.memory_space<vmem>>
      %dma_start3A_299 = tpu.memref_squeeze %dma_start3A_298 : memref<1x64x128xf32, #tpu.memory_space<vmem>> -> memref<64x128xf32, #tpu.memory_space<vmem>>
      %dma_start3A_300 = arith.constant 0 : i32
      %dma_start3A_301 = tpu.memref_slice %arg3[%dma_start3A_300, %multiple_of3A_288] : memref<64x1000000xf32, #tpu.memory_space<hbm>> -> memref<64x128xf32, #tpu.memory_space<hbm>>
      tpu.enqueue_dma source(%dma_start3A_301 : memref<64x128xf32, #tpu.memory_space<hbm>>) target(%dma_start3A_299 : memref<64x128xf32, #tpu.memory_space<vmem>>) target_semaphore(%arg12 : memref<!tpu.dma_semaphore, #tpu.memory_space<semaphore_mem>>)
      %slice3A_302 = vector.extract_strided_slice %gather3A {offsets = [7], sizes = [1], strides = [1]} : vector<16xi32> to vector<1xi32>
      %squeeze3A_303 = vector.extract %slice3A_302[0] : i32 from vector<1xi32>
      %jit3A_304 = arith.constant 128 : i32
      %div3A_305 = arith.divsi %squeeze3A_303, %jit3A_304 : i32
      %sign3A_306 = arith.constant 0 : i32
      %sign3A_307 = arith.cmpi sgt, %squeeze3A_303, %sign3A_306 : i32
      %sign3A_308 = arith.extui %sign3A_307 : i1 to i32
      %sign3A_309 = arith.constant 0 : i32
      %sign3A_310 = arith.cmpi slt, %squeeze3A_303, %sign3A_309 : i32
      %sign3A_311 = arith.extui %sign3A_310 : i1 to i32
      %sign3A_312 = arith.subi %sign3A_308, %sign3A_311 : i32
      %sign3A_313 = arith.constant 0 : i32
      %sign3A_314 = arith.cmpi sgt, %jit3A_304, %sign3A_313 : i32
      %sign3A_315 = arith.extui %sign3A_314 : i1 to i32
      %sign3A_316 = arith.constant 0 : i32
      %sign3A_317 = arith.cmpi slt, %jit3A_304, %sign3A_316 : i32
      %sign3A_318 = arith.extui %sign3A_317 : i1 to i32
      %sign3A_319 = arith.subi %sign3A_315, %sign3A_318 : i32
      %ne3A_320 = arith.cmpi ne, %sign3A_312, %sign3A_319 : i32
      %rem3A_321 = arith.remsi %squeeze3A_303, %jit3A_304 : i32
      %ne3A_322 = arith.constant 0 : i32
      %ne3A_323 = arith.cmpi ne, %rem3A_321, %ne3A_322 : i32
      %and3A_324 = arith.andi %ne3A_320, %ne3A_323 : i1
      %sub3A_325 = arith.constant 1 : i32
      %sub3A_326 = arith.subi %div3A_305, %sub3A_325 : i32
      %select_n3A_327 = arith.select %and3A_324, %sub3A_326, %div3A_305 : i32
      %mul3A_328 = arith.constant 128 : i32
      %mul3A_329 = arith.muli %select_n3A_327, %mul3A_328 : i32
      %multiple_of3A_330 = tpu.assume_multiple %mul3A_329, 128 : i32
      %dma_start3A_331 = arith.constant 7 : i32
      %dma_start3A_332 = arith.constant 0 : i32
      %dma_start3A_333 = arith.constant 0 : i32
      %dma_start3A_334 = tpu.memref_slice %arg10[%dma_start3A_331, %dma_start3A_332, %dma_start3A_333] : memref<8x64x128xf32, #tpu.memory_space<vmem>> -> memref<1x64x128xf32, #tpu.memory_space<vmem>>
      %dma_start3A_335 = tpu.memref_squeeze %dma_start3A_334 : memref<1x64x128xf32, #tpu.memory_space<vmem>> -> memref<64x128xf32, #tpu.memory_space<vmem>>
      %dma_start3A_336 = arith.constant 0 : i32
      %dma_start3A_337 = tpu.memref_slice %arg3[%dma_start3A_336, %multiple_of3A_330] : memref<64x1000000xf32, #tpu.memory_space<hbm>> -> memref<64x128xf32, #tpu.memory_space<hbm>>
      %dma_start3A_338 = arith.constant 0 : i32
      %dma_start3A_339 = arith.constant 0 : i32
      %dma_start3A_340 = tpu.memref_slice %arg10[%dma_start3A_331, %dma_start3A_338, %dma_start3A_339] : memref<8x64x128xf32, #tpu.memory_space<vmem>> -> memref<1x64x128xf32, #tpu.memory_space<vmem>>
      %dma_start3A_341 = tpu.memref_squeeze %dma_start3A_340 : memref<1x64x128xf32, #tpu.memory_space<vmem>> -> memref<64x128xf32, #tpu.memory_space<vmem>>
      %dma_start3A_342 = arith.constant 0 : i32
      %dma_start3A_343 = tpu.memref_slice %arg3[%dma_start3A_342, %multiple_of3A_330] : memref<64x1000000xf32, #tpu.memory_space<hbm>> -> memref<64x128xf32, #tpu.memory_space<hbm>>
      tpu.enqueue_dma source(%dma_start3A_343 : memref<64x128xf32, #tpu.memory_space<hbm>>) target(%dma_start3A_341 : memref<64x128xf32, #tpu.memory_space<vmem>>) target_semaphore(%arg12 : memref<!tpu.dma_semaphore, #tpu.memory_space<semaphore_mem>>)
      tpu.wait_dma2 semaphore(%arg13 : memref<!tpu.dma_semaphore, #tpu.memory_space<semaphore_mem>>) src(%arg4 : memref<2x64xf32, #tpu.memory_space<hbm>>) dst(%arg8 : memref<2x64xf32, #tpu.memory_space<vmem>>)
      %dma_wait3A_344 = arith.constant 0 : i32
      %dma_wait3A_345 = tpu.memref_slice %arg9[%dma_wait3A_344] : memref<16xf32, #tpu.memory_space<vmem>> -> memref<2xf32, #tpu.memory_space<vmem>>
      %dma_wait3A_346 = arith.constant 0 : i32
      %dma_wait3A_347 = tpu.memref_slice %arg9[%dma_wait3A_346] : memref<16xf32, #tpu.memory_space<vmem>> -> memref<2xf32, #tpu.memory_space<vmem>>
      tpu.wait_dma2 semaphore(%arg13 : memref<!tpu.dma_semaphore, #tpu.memory_space<semaphore_mem>>) src(%arg5 : memref<2xf32, #tpu.memory_space<hbm>>) dst(%dma_wait3A_347 : memref<2xf32, #tpu.memory_space<vmem>>)
      %dma_wait3A_348 = arith.constant 0 : i32
      %dma_wait3A_349 = arith.constant 0 : i32
      %dma_wait3A_350 = arith.constant 0 : i32
      %dma_wait3A_351 = tpu.memref_slice %arg10[%dma_wait3A_348, %dma_wait3A_349, %dma_wait3A_350] : memref<8x64x128xf32, #tpu.memory_space<vmem>> -> memref<1x64x128xf32, #tpu.memory_space<vmem>>
      %dma_wait3A_352 = tpu.memref_squeeze %dma_wait3A_351 : memref<1x64x128xf32, #tpu.memory_space<vmem>> -> memref<64x128xf32, #tpu.memory_space<vmem>>
      %dma_wait3A_353 = arith.constant 0 : i32
      %dma_wait3A_354 = tpu.memref_slice %arg3[%dma_wait3A_353, %multiple_of3A] : memref<64x1000000xf32, #tpu.memory_space<hbm>> -> memref<64x128xf32, #tpu.memory_space<hbm>>
      %dma_wait3A_355 = arith.constant 0 : i32
      %dma_wait3A_356 = arith.constant 0 : i32
      %dma_wait3A_357 = tpu.memref_slice %arg10[%dma_wait3A_348, %dma_wait3A_355, %dma_wait3A_356] : memref<8x64x128xf32, #tpu.memory_space<vmem>> -> memref<1x64x128xf32, #tpu.memory_space<vmem>>
      %dma_wait3A_358 = tpu.memref_squeeze %dma_wait3A_357 : memref<1x64x128xf32, #tpu.memory_space<vmem>> -> memref<64x128xf32, #tpu.memory_space<vmem>>
      %dma_wait3A_359 = arith.constant 0 : i32
      %dma_wait3A_360 = tpu.memref_slice %arg3[%dma_wait3A_359, %multiple_of3A] : memref<64x1000000xf32, #tpu.memory_space<hbm>> -> memref<64x128xf32, #tpu.memory_space<hbm>>
      tpu.wait_dma2 semaphore(%arg12 : memref<!tpu.dma_semaphore, #tpu.memory_space<semaphore_mem>>) src(%dma_wait3A_360 : memref<64x128xf32, #tpu.memory_space<hbm>>) dst(%dma_wait3A_358 : memref<64x128xf32, #tpu.memory_space<vmem>>)
      %dma_wait3A_361 = arith.constant 1 : i32
      %dma_wait3A_362 = arith.constant 0 : i32
      %dma_wait3A_363 = arith.constant 0 : i32
      %dma_wait3A_364 = tpu.memref_slice %arg10[%dma_wait3A_361, %dma_wait3A_362, %dma_wait3A_363] : memref<8x64x128xf32, #tpu.memory_space<vmem>> -> memref<1x64x128xf32, #tpu.memory_space<vmem>>
      %dma_wait3A_365 = tpu.memref_squeeze %dma_wait3A_364 : memref<1x64x128xf32, #tpu.memory_space<vmem>> -> memref<64x128xf32, #tpu.memory_space<vmem>>
      %dma_wait3A_366 = arith.constant 0 : i32
      %dma_wait3A_367 = tpu.memref_slice %arg3[%dma_wait3A_366, %multiple_of3A_78] : memref<64x1000000xf32, #tpu.memory_space<hbm>> -> memref<64x128xf32, #tpu.memory_space<hbm>>
      %dma_wait3A_368 = arith.constant 0 : i32
      %dma_wait3A_369 = arith.constant 0 : i32
      %dma_wait3A_370 = tpu.memref_slice %arg10[%dma_wait3A_361, %dma_wait3A_368, %dma_wait3A_369] : memref<8x64x128xf32, #tpu.memory_space<vmem>> -> memref<1x64x128xf32, #tpu.memory_space<vmem>>
      %dma_wait3A_371 = tpu.memref_squeeze %dma_wait3A_370 : memref<1x64x128xf32, #tpu.memory_space<vmem>> -> memref<64x128xf32, #tpu.memory_space<vmem>>
      %dma_wait3A_372 = arith.constant 0 : i32
      %dma_wait3A_373 = tpu.memref_slice %arg3[%dma_wait3A_372, %multiple_of3A_78] : memref<64x1000000xf32, #tpu.memory_space<hbm>> -> memref<64x128xf32, #tpu.memory_space<hbm>>
      tpu.wait_dma2 semaphore(%arg12 : memref<!tpu.dma_semaphore, #tpu.memory_space<semaphore_mem>>) src(%dma_wait3A_373 : memref<64x128xf32, #tpu.memory_space<hbm>>) dst(%dma_wait3A_371 : memref<64x128xf32, #tpu.memory_space<vmem>>)
      %dma_wait3A_374 = arith.constant 2 : i32
      %dma_wait3A_375 = arith.constant 0 : i32
      %dma_wait3A_376 = arith.constant 0 : i32
      %dma_wait3A_377 = tpu.memref_slice %arg10[%dma_wait3A_374, %dma_wait3A_375, %dma_wait3A_376] : memref<8x64x128xf32, #tpu.memory_space<vmem>> -> memref<1x64x128xf32, #tpu.memory_space<vmem>>
      %dma_wait3A_378 = tpu.memref_squeeze %dma_wait3A_377 : memref<1x64x128xf32, #tpu.memory_space<vmem>> -> memref<64x128xf32, #tpu.memory_space<vmem>>
      %dma_wait3A_379 = arith.constant 0 : i32
      %dma_wait3A_380 = tpu.memref_slice %arg3[%dma_wait3A_379, %multiple_of3A_120] : memref<64x1000000xf32, #tpu.memory_space<hbm>> -> memref<64x128xf32, #tpu.memory_space<hbm>>
      %dma_wait3A_381 = arith.constant 0 : i32
      %dma_wait3A_382 = arith.constant 0 : i32
      %dma_wait3A_383 = tpu.memref_slice %arg10[%dma_wait3A_374, %dma_wait3A_381, %dma_wait3A_382] : memref<8x64x128xf32, #tpu.memory_space<vmem>> -> memref<1x64x128xf32, #tpu.memory_space<vmem>>
      %dma_wait3A_384 = tpu.memref_squeeze %dma_wait3A_383 : memref<1x64x128xf32, #tpu.memory_space<vmem>> -> memref<64x128xf32, #tpu.memory_space<vmem>>
      %dma_wait3A_385 = arith.constant 0 : i32
      %dma_wait3A_386 = tpu.memref_slice %arg3[%dma_wait3A_385, %multiple_of3A_120] : memref<64x1000000xf32, #tpu.memory_space<hbm>> -> memref<64x128xf32, #tpu.memory_space<hbm>>
      tpu.wait_dma2 semaphore(%arg12 : memref<!tpu.dma_semaphore, #tpu.memory_space<semaphore_mem>>) src(%dma_wait3A_386 : memref<64x128xf32, #tpu.memory_space<hbm>>) dst(%dma_wait3A_384 : memref<64x128xf32, #tpu.memory_space<vmem>>)
      %dma_wait3A_387 = arith.constant 3 : i32
      %dma_wait3A_388 = arith.constant 0 : i32
      %dma_wait3A_389 = arith.constant 0 : i32
      %dma_wait3A_390 = tpu.memref_slice %arg10[%dma_wait3A_387, %dma_wait3A_388, %dma_wait3A_389] : memref<8x64x128xf32, #tpu.memory_space<vmem>> -> memref<1x64x128xf32, #tpu.memory_space<vmem>>
      %dma_wait3A_391 = tpu.memref_squeeze %dma_wait3A_390 : memref<1x64x128xf32, #tpu.memory_space<vmem>> -> memref<64x128xf32, #tpu.memory_space<vmem>>
      %dma_wait3A_392 = arith.constant 0 : i32
      %dma_wait3A_393 = tpu.memref_slice %arg3[%dma_wait3A_392, %multiple_of3A_162] : memref<64x1000000xf32, #tpu.memory_space<hbm>> -> memref<64x128xf32, #tpu.memory_space<hbm>>
      %dma_wait3A_394 = arith.constant 0 : i32
      %dma_wait3A_395 = arith.constant 0 : i32
      %dma_wait3A_396 = tpu.memref_slice %arg10[%dma_wait3A_387, %dma_wait3A_394, %dma_wait3A_395] : memref<8x64x128xf32, #tpu.memory_space<vmem>> -> memref<1x64x128xf32, #tpu.memory_space<vmem>>
      %dma_wait3A_397 = tpu.memref_squeeze %dma_wait3A_396 : memref<1x64x128xf32, #tpu.memory_space<vmem>> -> memref<64x128xf32, #tpu.memory_space<vmem>>
      %dma_wait3A_398 = arith.constant 0 : i32
      %dma_wait3A_399 = tpu.memref_slice %arg3[%dma_wait3A_398, %multiple_of3A_162] : memref<64x1000000xf32, #tpu.memory_space<hbm>> -> memref<64x128xf32, #tpu.memory_space<hbm>>
      tpu.wait_dma2 semaphore(%arg12 : memref<!tpu.dma_semaphore, #tpu.memory_space<semaphore_mem>>) src(%dma_wait3A_399 : memref<64x128xf32, #tpu.memory_space<hbm>>) dst(%dma_wait3A_397 : memref<64x128xf32, #tpu.memory_space<vmem>>)
      %dma_wait3A_400 = arith.constant 4 : i32
      %dma_wait3A_401 = arith.constant 0 : i32
      %dma_wait3A_402 = arith.constant 0 : i32
      %dma_wait3A_403 = tpu.memref_slice %arg10[%dma_wait3A_400, %dma_wait3A_401, %dma_wait3A_402] : memref<8x64x128xf32, #tpu.memory_space<vmem>> -> memref<1x64x128xf32, #tpu.memory_space<vmem>>
      %dma_wait3A_404 = tpu.memref_squeeze %dma_wait3A_403 : memref<1x64x128xf32, #tpu.memory_space<vmem>> -> memref<64x128xf32, #tpu.memory_space<vmem>>
      %dma_wait3A_405 = arith.constant 0 : i32
      %dma_wait3A_406 = tpu.memref_slice %arg3[%dma_wait3A_405, %multiple_of3A_204] : memref<64x1000000xf32, #tpu.memory_space<hbm>> -> memref<64x128xf32, #tpu.memory_space<hbm>>
      %dma_wait3A_407 = arith.constant 0 : i32
      %dma_wait3A_408 = arith.constant 0 : i32
      %dma_wait3A_409 = tpu.memref_slice %arg10[%dma_wait3A_400, %dma_wait3A_407, %dma_wait3A_408] : memref<8x64x128xf32, #tpu.memory_space<vmem>> -> memref<1x64x128xf32, #tpu.memory_space<vmem>>
      %dma_wait3A_410 = tpu.memref_squeeze %dma_wait3A_409 : memref<1x64x128xf32, #tpu.memory_space<vmem>> -> memref<64x128xf32, #tpu.memory_space<vmem>>
      %dma_wait3A_411 = arith.constant 0 : i32
      %dma_wait3A_412 = tpu.memref_slice %arg3[%dma_wait3A_411, %multiple_of3A_204] : memref<64x1000000xf32, #tpu.memory_space<hbm>> -> memref<64x128xf32, #tpu.memory_space<hbm>>
      tpu.wait_dma2 semaphore(%arg12 : memref<!tpu.dma_semaphore, #tpu.memory_space<semaphore_mem>>) src(%dma_wait3A_412 : memref<64x128xf32, #tpu.memory_space<hbm>>) dst(%dma_wait3A_410 : memref<64x128xf32, #tpu.memory_space<vmem>>)
      %dma_wait3A_413 = arith.constant 5 : i32
      %dma_wait3A_414 = arith.constant 0 : i32
      %dma_wait3A_415 = arith.constant 0 : i32
      %dma_wait3A_416 = tpu.memref_slice %arg10[%dma_wait3A_413, %dma_wait3A_414, %dma_wait3A_415] : memref<8x64x128xf32, #tpu.memory_space<vmem>> -> memref<1x64x128xf32, #tpu.memory_space<vmem>>
      %dma_wait3A_417 = tpu.memref_squeeze %dma_wait3A_416 : memref<1x64x128xf32, #tpu.memory_space<vmem>> -> memref<64x128xf32, #tpu.memory_space<vmem>>
      %dma_wait3A_418 = arith.constant 0 : i32
      %dma_wait3A_419 = tpu.memref_slice %arg3[%dma_wait3A_418, %multiple_of3A_246] : memref<64x1000000xf32, #tpu.memory_space<hbm>> -> memref<64x128xf32, #tpu.memory_space<hbm>>
      %dma_wait3A_420 = arith.constant 0 : i32
      %dma_wait3A_421 = arith.constant 0 : i32
      %dma_wait3A_422 = tpu.memref_slice %arg10[%dma_wait3A_413, %dma_wait3A_420, %dma_wait3A_421] : memref<8x64x128xf32, #tpu.memory_space<vmem>> -> memref<1x64x128xf32, #tpu.memory_space<vmem>>
      %dma_wait3A_423 = tpu.memref_squeeze %dma_wait3A_422 : memref<1x64x128xf32, #tpu.memory_space<vmem>> -> memref<64x128xf32, #tpu.memory_space<vmem>>
      %dma_wait3A_424 = arith.constant 0 : i32
      %dma_wait3A_425 = tpu.memref_slice %arg3[%dma_wait3A_424, %multiple_of3A_246] : memref<64x1000000xf32, #tpu.memory_space<hbm>> -> memref<64x128xf32, #tpu.memory_space<hbm>>
      tpu.wait_dma2 semaphore(%arg12 : memref<!tpu.dma_semaphore, #tpu.memory_space<semaphore_mem>>) src(%dma_wait3A_425 : memref<64x128xf32, #tpu.memory_space<hbm>>) dst(%dma_wait3A_423 : memref<64x128xf32, #tpu.memory_space<vmem>>)
      %dma_wait3A_426 = arith.constant 6 : i32
      %dma_wait3A_427 = arith.constant 0 : i32
      %dma_wait3A_428 = arith.constant 0 : i32
      %dma_wait3A_429 = tpu.memref_slice %arg10[%dma_wait3A_426, %dma_wait3A_427, %dma_wait3A_428] : memref<8x64x128xf32, #tpu.memory_space<vmem>> -> memref<1x64x128xf32, #tpu.memory_space<vmem>>
      %dma_wait3A_430 = tpu.memref_squeeze %dma_wait3A_429 : memref<1x64x128xf32, #tpu.memory_space<vmem>> -> memref<64x128xf32, #tpu.memory_space<vmem>>
      %dma_wait3A_431 = arith.constant 0 : i32
      %dma_wait3A_432 = tpu.memref_slice %arg3[%dma_wait3A_431, %multiple_of3A_288] : memref<64x1000000xf32, #tpu.memory_space<hbm>> -> memref<64x128xf32, #tpu.memory_space<hbm>>
      %dma_wait3A_433 = arith.constant 0 : i32
      %dma_wait3A_434 = arith.constant 0 : i32
      %dma_wait3A_435 = tpu.memref_slice %arg10[%dma_wait3A_426, %dma_wait3A_433, %dma_wait3A_434] : memref<8x64x128xf32, #tpu.memory_space<vmem>> -> memref<1x64x128xf32, #tpu.memory_space<vmem>>
      %dma_wait3A_436 = tpu.memref_squeeze %dma_wait3A_435 : memref<1x64x128xf32, #tpu.memory_space<vmem>> -> memref<64x128xf32, #tpu.memory_space<vmem>>
      %dma_wait3A_437 = arith.constant 0 : i32
      %dma_wait3A_438 = tpu.memref_slice %arg3[%dma_wait3A_437, %multiple_of3A_288] : memref<64x1000000xf32, #tpu.memory_space<hbm>> -> memref<64x128xf32, #tpu.memory_space<hbm>>
      tpu.wait_dma2 semaphore(%arg12 : memref<!tpu.dma_semaphore, #tpu.memory_space<semaphore_mem>>) src(%dma_wait3A_438 : memref<64x128xf32, #tpu.memory_space<hbm>>) dst(%dma_wait3A_436 : memref<64x128xf32, #tpu.memory_space<vmem>>)
      %dma_wait3A_439 = arith.constant 7 : i32
      %dma_wait3A_440 = arith.constant 0 : i32
      %dma_wait3A_441 = arith.constant 0 : i32
      %dma_wait3A_442 = tpu.memref_slice %arg10[%dma_wait3A_439, %dma_wait3A_440, %dma_wait3A_441] : memref<8x64x128xf32, #tpu.memory_space<vmem>> -> memref<1x64x128xf32, #tpu.memory_space<vmem>>
      %dma_wait3A_443 = tpu.memref_squeeze %dma_wait3A_442 : memref<1x64x128xf32, #tpu.memory_space<vmem>> -> memref<64x128xf32, #tpu.memory_space<vmem>>
      %dma_wait3A_444 = arith.constant 0 : i32
      %dma_wait3A_445 = tpu.memref_slice %arg3[%dma_wait3A_444, %multiple_of3A_330] : memref<64x1000000xf32, #tpu.memory_space<hbm>> -> memref<64x128xf32, #tpu.memory_space<hbm>>
      %dma_wait3A_446 = arith.constant 0 : i32
      %dma_wait3A_447 = arith.constant 0 : i32
      %dma_wait3A_448 = tpu.memref_slice %arg10[%dma_wait3A_439, %dma_wait3A_446, %dma_wait3A_447] : memref<8x64x128xf32, #tpu.memory_space<vmem>> -> memref<1x64x128xf32, #tpu.memory_space<vmem>>
      %dma_wait3A_449 = tpu.memref_squeeze %dma_wait3A_448 : memref<1x64x128xf32, #tpu.memory_space<vmem>> -> memref<64x128xf32, #tpu.memory_space<vmem>>
      %dma_wait3A_450 = arith.constant 0 : i32
      %dma_wait3A_451 = tpu.memref_slice %arg3[%dma_wait3A_450, %multiple_of3A_330] : memref<64x1000000xf32, #tpu.memory_space<hbm>> -> memref<64x128xf32, #tpu.memory_space<hbm>>
      tpu.wait_dma2 semaphore(%arg12 : memref<!tpu.dma_semaphore, #tpu.memory_space<semaphore_mem>>) src(%dma_wait3A_451 : memref<64x128xf32, #tpu.memory_space<hbm>>) dst(%dma_wait3A_449 : memref<64x128xf32, #tpu.memory_space<vmem>>)
      %jit3A_452 = arith.constant 128 : i32
      %eq3A = arith.constant 0 : i32
      %eq3A_453 = arith.cmpi eq, %jit3A_452, %eq3A : i32
      %jit3A_454 = arith.constant 1 : i32
      %select_n3A_455 = arith.select %eq3A_453, %jit3A_454, %jit3A_452 : i32
      %rem3A_456 = vector.broadcast %select_n3A_455 : i32 to vector<16xi32>
      %rem3A_457 = arith.remsi %gather3A, %rem3A_456 : vector<16xi32>
      %ne3A_458 = arith.constant 0 : i32
      %ne3A_459 = vector.broadcast %ne3A_458 : i32 to vector<16xi32>
      %ne3A_460 = arith.cmpi ne, %rem3A_457, %ne3A_459 : vector<16xi32>
      %lt3A_461 = arith.constant 0 : i32
      %lt3A_462 = vector.broadcast %lt3A_461 : i32 to vector<16xi32>
      %lt3A_463 = arith.cmpi slt, %rem3A_457, %lt3A_462 : vector<16xi32>
      %lt3A_464 = arith.constant 0 : i32
      %lt3A_465 = arith.cmpi slt, %select_n3A_455, %lt3A_464 : i32
      %ne3A_466 = vector.broadcast %lt3A_465 : i1 to vector<16xi1>
      %ne3A_467 = vector.broadcast %ne3A_466 : vector<16xi1> to vector<16xi1>
      %ne3A_468 = arith.xori %lt3A_463, %ne3A_467 : vector<16xi1>
      %and3A_469 = arith.andi %ne3A_468, %ne3A_460 : vector<16xi1>
      %add3A_470 = vector.broadcast %select_n3A_455 : i32 to vector<16xi32>
      %add3A_471 = arith.addi %rem3A_457, %add3A_470 : vector<16xi32>
      %select_n3A_472 = arith.select %and3A_469, %add3A_471, %rem3A_457 : vector<16xi1>, vector<16xi32>
      %broadcast_in_dim3A_473 = arith.constant 0.000000e+00 : f32
      %broadcast_in_dim3A_474 = vector.broadcast %broadcast_in_dim3A_473 : f32 to vector<16xf32>
      %broadcast_in_dim3A_475 = arith.constant 0 : i32
      %broadcast_in_dim3A_476 = vector.broadcast %broadcast_in_dim3A_475 : i32 to vector<16xi32>
      %add3A_477 = arith.constant 1 : i32
      %add3A_478 = vector.broadcast %add3A_477 : i32 to vector<16xi32>
      %add3A_479 = arith.addi %broadcast_in_dim3A_476, %add3A_478 : vector<16xi32>
      %get3A = arith.constant 0 : index
      %get3A_480 = tpu.vector_load %arg9[%get3A] {strides = array<i32>} : memref<16xf32, #tpu.memory_space<vmem>>, vector<16xf32>,
      %scan3A = arith.constant 0 : i32
      %scan3A_481 = arith.constant 64 : i32
      %scan3A_482 = arith.addi %scan3A, %scan3A_481 : i32
      %scan3A_483 = arith.constant 1 : i32
      %scan3A_484:2 = scf.for %scan3A_499 = %scan3A to %scan3A_482 step %scan3A_483 iter_args(%scan3A_500 = %broadcast_in_dim3A_474, %scan3A_501 = %broadcast_in_dim3A_474) -> (vector<16xf32>, vector<16xf32>)  : i32 {
        %broadcast_in_dim3A_502 = vector.broadcast %scan3A_499 : i32 to vector<16xi32>
        %gather3A_503 = tpu.vector_load_idx %arg10[%iota3A, %broadcast_in_dim3A_502, %select_n3A_472] masked %lt3A_14 : memref<8x64x128xf32, #tpu.memory_space<vmem>>[vector<16xi32>, vector<16xi32>, vector<16xi32>], vector<16xf32>, vector<16xi1>
        %gather3A_504 = tpu.vector_load_idx %arg8[%broadcast_in_dim3A_476, %broadcast_in_dim3A_502] : memref<2x64xf32, #tpu.memory_space<vmem>>[vector<16xi32>, vector<16xi32>], vector<16xf32>,
        %gather3A_505 = tpu.vector_load_idx %arg8[%add3A_479, %broadcast_in_dim3A_502] : memref<2x64xf32, #tpu.memory_space<vmem>>[vector<16xi32>, vector<16xi32>], vector<16xf32>,
        %mul3A_506 = arith.mulf %gather3A_503, %gather3A_504 : vector<16xf32>
        %add3A_507 = arith.addf %scan3A_500, %mul3A_506 : vector<16xf32>
        %mul3A_508 = arith.mulf %gather3A_503, %gather3A_505 : vector<16xf32>
        %add3A_509 = arith.addf %scan3A_501, %mul3A_508 : vector<16xf32>
        scf.yield %add3A_507, %add3A_509 : vector<16xf32>, vector<16xf32>
      }
      %scan3A_485 = arith.constant 64 : i32
      %slice3A_486 = vector.extract_strided_slice %get3A_480 {offsets = [0], sizes = [1], strides = [1]} : vector<16xf32> to vector<1xf32>
      %squeeze3A_487 = vector.extract %slice3A_486[0] : f32 from vector<1xf32>
      %add3A_488 = vector.broadcast %squeeze3A_487 : f32 to vector<16xf32>
      %add3A_489 = arith.addf %scan3A_484#0, %add3A_488 : vector<16xf32>
      %slice3A_490 = vector.extract_strided_slice %get3A_480 {offsets = [1], sizes = [1], strides = [1]} : vector<16xf32> to vector<1xf32>
      %squeeze3A_491 = vector.extract %slice3A_490[0] : f32 from vector<1xf32>
      %add3A_492 = vector.broadcast %squeeze3A_491 : f32 to vector<16xf32>
      %add3A_493 = arith.addf %scan3A_484#1, %add3A_492 : vector<16xf32>
      %broadcast_in_dim3A_494 = arith.constant 0 : i32
      %broadcast_in_dim3A_495 = vector.broadcast %broadcast_in_dim3A_494 : i32 to vector<16xi32>
      tpu.vector_store_idx %arg11[%iota3A, %broadcast_in_dim3A_495], %add3A_489 masked %lt3A_14 : memref<8x2xf32, #tpu.memory_space<vmem>>[vector<16xi32>, vector<16xi32>], vector<16xf32>, vector<16xi1>
      %add3A_496 = arith.constant 1 : i32
      %add3A_497 = vector.broadcast %add3A_496 : i32 to vector<16xi32>
      %add3A_498 = arith.addi %broadcast_in_dim3A_495, %add3A_497 : vector<16xi32>
      tpu.vector_store_idx %arg11[%iota3A, %add3A_498], %add3A_493 masked %lt3A_14 : memref<8x2xf32, #tpu.memory_space<vmem>>[vector<16xi32>, vector<16xi32>], vector<16xf32>, vector<16xi1>
      "tpu.region"() ({
        %run_scoped3A = tpu.sem_alloc : memref<!tpu.dma_semaphore, #tpu.memory_space<semaphore_mem>>
        %dma_start3A_499 = arith.constant 0 : i32
        %dma_start3A_500 = tpu.memref_slice %arg6[%mul3A_2, %dma_start3A_499] : memref<200x2xf32, #tpu.memory_space<hbm>> -> memref<8x2xf32, #tpu.memory_space<hbm>>
        %dma_start3A_501 = arith.constant 0 : i32
        %dma_start3A_502 = tpu.memref_slice %arg6[%mul3A_2, %dma_start3A_501] : memref<200x2xf32, #tpu.memory_space<hbm>> -> memref<8x2xf32, #tpu.memory_space<hbm>>
        tpu.enqueue_dma source(%arg11 : memref<8x2xf32, #tpu.memory_space<vmem>>) target(%dma_start3A_502 : memref<8x2xf32, #tpu.memory_space<hbm>>) target_semaphore(%run_scoped3A : memref<!tpu.dma_semaphore, #tpu.memory_space<semaphore_mem>>)
        %dma_wait3A_503 = arith.constant 0 : i32
        %dma_wait3A_504 = tpu.memref_slice %arg6[%mul3A_2, %dma_wait3A_503] : memref<200x2xf32, #tpu.memory_space<hbm>> -> memref<8x2xf32, #tpu.memory_space<hbm>>
        %dma_wait3A_505 = arith.constant 0 : i32
        %dma_wait3A_506 = tpu.memref_slice %arg6[%mul3A_2, %dma_wait3A_505] : memref<200x2xf32, #tpu.memory_space<hbm>> -> memref<8x2xf32, #tpu.memory_space<hbm>>
        tpu.wait_dma2 semaphore(%run_scoped3A : memref<!tpu.dma_semaphore, #tpu.memory_space<semaphore_mem>>) src(%arg11 : memref<8x2xf32, #tpu.memory_space<vmem>>) dst(%dma_wait3A_506 : memref<8x2xf32, #tpu.memory_space<hbm>>)
        tpu.yield
      }) : () -> ()
    } else {
    }
    return
  }
}

</mosaic_0001>

<sc_bundles>
// kernel: kernel.3.cloned.1.call-start
scs
__scs_entry_jumppad:
0x0: {  	(pc) =	sbr.rel $0x88, $3  }
0x1: {  	(tag) =	ssettag $0x0;
	lr =	simm.s32 $0x1  }
0x2: {  	[smem:$0x3F9D] =	sst lr;
	_ =	strace $0xD0000000  }
0x3: {  	_ = 	snop  }
0x4: {  	_ = 	snop  }
0x5: {  	_ = 	snop  }
0x6: {  	_ = 	snop  }
0x7: {  	_ = 	snop  }
__scs_overlays_trampoline_lowered:
0x8: {  	[smem:$0x3FAC] =	sst s0  }
0x9: {  	[smem:$0x3FAD] =	sst s1  }
0xa: {  	[smem:$0x3FAE] =	sst s2  }
0xb: {  	[smem:$0x3FAF] =	sst s3  }
0xc: {  	[smem:$0x3FB0] =	sst s4  }
0xd: {  	[smem:$0x3FB1] =	sst s5  }
0xe: {  	[smem:$0x3FB2] =	sst s6  }
0xf: {  	[smem:$0x3FB3] =	sst s7  }
0x10: {  	[smem:$0x3FB4] =	sst s8  }
0x11: {  	[smem:$0x3FB5] =	sst s9;
	s0 =	simm.s32 @!p0 $0x0  }
0x12: {  	s1 =	sld [smem:$0x3F9B];
	s0 =	simm.s32 @p0 $0x1  }
0x13: {  	[smem:$0x3FB6] =	sst s0;
	s0 =	simm.s32 @!p1 $0x0  }
0x14: {  	s2 =	sld [smem:$0x3F9A];
	s0 =	simm.s32 @p1 $0x1  }
0x15: {  	[smem:$0x3FB7] =	sst s0;
	s0 =	simm.s32 @!p2 $0x0  }
0x16: {  	s3 =	sld [smem:$0x3FDB];
	s0 =	simm.s32 @p2 $0x1  }
0x17: {  	s4 =	simm.s32 $0x1BF5;
	[smem:$0x3FB9] =	sst s0  }
0x18: {  	s0 =	sld [smem:$0x3F9C];
	_ =	swait.ge [sflag:s4], $0x0  }
0x19: {  	s7 =	sld [smem:$0x3F9D]  }
0x1a: {  	s8 =	sadd.s32 $0xFFFFE003, lr  }
0x1b: {  	s9 =	sadd.s32 $0xFFFFFEF7, lr;
	s5 =	simm.s32 $0xFFFFFFFF;
	p2 =	slt.u32 s8, $0xFFFFF086  }
0x1c: {  	p1 =	slt.u32 s9, $0xF7A;
	s5 =	simm.s32 @!p2 $0x0  }
0x1d: {  	s5 =	simm.s32 @p1 $0x1;
	p0 =	seq.s32 s7, s2  }
0x1e: {  	s7 =	smul.u32 @!p0 $0xF7A, s2;
	p2 =	seq.s32 @!p0 s5, $0x0  }
0x1f: {  	s9 =	smul.u32 $0xF7A, s1;
	s8 =	simm.s32 @!p0 $0x1BF5;
	p2 =	por !p2, p0  }
0x20: {  	[sflag:s8] =	ssyncset.s32 @!p0 $0xFFFFF086;
	s6 =	sadd.s32 @!p0 s3, s7;
	s7 =	simm.s32 @!p0 $0x108  }
0x21: {  	s3 =	sadd.s32 s3, s9;
	s6 =	sadd.s32 @!p0 $0x88, s6;
	s7 =	simm.s32 @p2 $0x1082  }
0x22: {  	[simem:s7], [sflag:s8] =	dma.local @!p0 [hbm:s6], $0xF7A  }
0x23: {  	s9 =	sor.u32 $0xD0000000, s2;
	s6 =	simm.s32 $0x108;
	_ =	swait.ge @!p0 [sflag:s8], $0x0  }
0x24: {  	s3 =	sadd.s32 $0x88, s3;
	s6 =	simm.s32 @!p1 $0x1082;
	[sflag:s4] =	ssyncset.s32 $0xFFFFF086  }
0x25: {  	[simem:s6], [sflag:s4] =	dma.local [hbm:s3], $0xF7A  }
0x26: {  	[smem:$0x3F9D] =	sst s1;
	(tag) =	ssettag s2;
	_ =	strace s9  }
0x27: {  	s1 =	sld [smem:$0x3FAD]  }
0x28: {  	s2 =	sld [smem:$0x3FAE]  }
0x29: {  	s4 =	sld [smem:$0x3FB0]  }
0x2a: {  	p0 =	seq.s32 s5, $0x0;
	s5 =	sld [smem:$0x3FB1]  }
0x2b: {  	s6 =	sld [smem:$0x3FB2]  }
0x2c: {  	s7 =	sld [smem:$0x3FB3]  }
0x2d: {  	s3 =	simm.s32 $0x108;
	s8 =	sld [smem:$0x3FB4]  }
0x2e: {  	s3 =	simm.s32 @!p0 $0x1082;
	s9 =	sld [smem:$0x3FB5]  }
0x2f: {  	lr =	sadd.s32 s0, s3;
	s0 =	sld [smem:$0x3FAC]  }
0x30: {  	s3 =	sld [smem:$0x3FAF]  }
0x31: {  	[smem:$0x3FB8] =	sst s10  }
0x32: {  	s10 =	sld [smem:$0x3FB6];
	_ =	sdelay $0x3  }
0x33: {  	p0 =	seq.s32 s10, $0x1;
	s10 =	sld [smem:$0x3FB8];
	_ =	sdelay $0x3  }
0x34: {  	[smem:$0x3FB8] =	sst s10  }
0x35: {  	s10 =	sld [smem:$0x3FB7];
	_ =	sdelay $0x3  }
0x36: {  	p1 =	seq.s32 s10, $0x1;
	s10 =	sld [smem:$0x3FB8];
	_ =	sdelay $0x3  }
0x37: {  	[smem:$0x3FB8] =	sst s10  }
0x38: {  	s10 =	sld [smem:$0x3FB9]  }
0x39: {  	_ = 	snop;
	(pc) =	sbr.ind lr, $3  }
0x3a: {  	_ = 	snop  }
0x3b: {  	_ = 	snop  }
0x3c: {  	p2 =	seq.s32 s10, $0x1;
	s10 =	sld [smem:$0x3FB8]  }
0x3d: {  	_ =	shalt  }
0x3e: {  	_ =	shalt  }
0x3f: {  	_ =	shalt  }
0x40: {  	_ =	shalt  }
0x41: {  	_ =	shalt  }
0x42: {  	_ =	shalt  }
0x43: {  	_ =	shalt  }
0x44: {  	_ =	shalt  }
0x45: {  	_ =	shalt  }
0x46: {  	_ =	shalt  }
0x47: {  	_ =	shalt  }
0x48: {  	_ =	shalt  }
0x49: {  	_ =	shalt  }
0x4a: {  	_ =	shalt  }
0x4b: {  	_ =	shalt  }
0x4c: {  	_ =	shalt  }
0x4d: {  	_ =	shalt  }
0x4e: {  	_ =	shalt  }
0x4f: {  	_ =	shalt  }
0x50: {  	_ =	shalt  }
0x51: {  	_ =	shalt  }
0x52: {  	_ =	shalt  }
0x53: {  	_ =	shalt  }
0x54: {  	_ =	shalt  }
0x55: {  	_ =	shalt  }
0x56: {  	_ =	shalt  }
0x57: {  	_ =	shalt  }
0x58: {  	_ =	shalt  }
0x59: {  	_ =	shalt  }
0x5a: {  	_ =	shalt  }
0x5b: {  	_ =	shalt  }
0x5c: {  	_ =	shalt  }
0x5d: {  	_ =	shalt  }
0x5e: {  	_ =	shalt  }
0x5f: {  	_ =	shalt  }
0x60: {  	_ =	shalt  }
0x61: {  	_ =	shalt  }
0x62: {  	_ =	shalt  }
0x63: {  	_ =	shalt  }
0x64: {  	_ =	shalt  }
0x65: {  	_ =	shalt  }
0x66: {  	_ =	shalt  }
0x67: {  	_ =	shalt  }
0x68: {  	_ =	shalt  }
0x69: {  	_ =	shalt  }
0x6a: {  	_ =	shalt  }
0x6b: {  	_ =	shalt  }
0x6c: {  	_ =	shalt  }
0x6d: {  	_ =	shalt  }
0x6e: {  	_ =	shalt  }
0x6f: {  	_ =	shalt  }
0x70: {  	_ =	shalt  }
0x71: {  	_ =	shalt  }
0x72: {  	_ =	shalt  }
0x73: {  	_ =	shalt  }
0x74: {  	_ =	shalt  }
0x75: {  	_ =	shalt  }
0x76: {  	_ =	shalt  }
0x77: {  	_ =	shalt  }
0x78: {  	_ =	shalt  }
0x79: {  	_ =	shalt  }
0x7a: {  	_ =	shalt  }
0x7b: {  	_ =	shalt  }
0x7c: {  	_ =	shalt  }
0x7d: {  	_ =	shalt  }
0x7e: {  	_ =	shalt  }
0x7f: {  	_ =	shalt  }
0x80: {  	_ =	shalt  }
0x81: {  	_ =	shalt  }
0x82: {  	_ =	shalt  }
0x83: {  	_ =	shalt  }
0x84: {  	_ =	shalt  }
0x85: {  	_ =	shalt  }
0x86: {  	_ =	shalt  }
0x87: {  	_ =	shalt  }
.Lfunc_end0:
.L_simem_size_0:
called_computation_lowered:
.L_overlay_start_0:
0x88: {  	s2 =	sld [smem:$0x3FD9]  }
0x89: {  	s3 =	sld [smem:$0x3FFE];
	_ =	sdelay $0x1  }
0x8a: {  	s1 =	srdreg.scid  }
0x8b: {  	s0 =	sand.u32 $0x1, s1  }
0x8c: {  	s17 =	sshll.u32 s0, $0xA;
	s2 =	sadd.s32 s3, s2  }
0x8d: {  	s2 =	sadd.s32 s2, s17  }
0x8e: {  	[smem:$0x3FC4] =	sst s2  }
0x8f: {  	_ = 	snop  }
0x90: {  	s2 =	sld [smem:$0x3FC9]  }
0x91: {  	s18 =	sld [smem:$0x3FC8]  }
0x92: {  	s4 =	sld [smem:$0x3FC7]  }
0x93: {  	s5 =	sld [smem:$0x3FC6];
	(tm) =	ssettm $0x1  }
0x94: {  	s6 =	sld [smem:$0x3FFB];
	_ =	sdelay $0x3  }
0x95: {  	_ =	strace s6  }
0x96: {  	s6 =	sld [smem:$0x3FFC];
	_ =	sdelay $0x3  }
0x97: {  	_ =	strace s6  }
0x98: {  	s6 =	sld [smem:$0x3FFD];
	_ =	sdelay $0x3  }
0x99: {  	_ =	strace s6  }
0x9a: {  	_ =	strace $0x8FFFFFFF  }
0x9b: {  	s19 =	sld [smem:$0x3FDB];
	_ =	sdelay $0x1  }
0x9c: {  	s7 =	simm.s32 $_scs_section_size  }
0x9d: {  	s8 =	simm.s32 $_size__tile_overlayer_lowered;
	s9 =	simm.s32 $_tile_overlayer_lowered  }
0x9e: {  	s22 =	simm.s32 $0x1BFF;
	s21 =	sshll.u32 s9, $0x1;
	s6 =	sadd.s32 s7, s19  }
0x9f: {  	s10 =	simm.s32 $0x0;
	s20 =	sshll.u32 s8, $0x1;
	s8 =	sadd.s32 s21, s6  }
0xa0: {  	[timem:s10], [sflag:s22] =	dma.local [hbm:s8], s20  }
0xa1: {  	_ =	swait.ge [sflag:s22], s20  }
0xa2: {  	s7 =	ssub.s32 $0x0, s20;
	[sflag:s22] =	ssyncset.done $0x0  }
0xa3: {  	[sflag:s22] =	ssyncadd.s32 s7;
	_ =	sdelay $0x1  }
0xa4: {  	s23 =	simm.s32 $0x1B8B  }
0xa5: {  	_ =	swait.ge [sflag:s23], $0x1  }
0xa6: {  	[sflag:s23] =	ssyncset.done $0x0  }
0xa7: {  	s25 =	simm.s32 $0x1B8E;
	s24 =	sld [smem:$0x3FFE];
	[sflag:s23] =	ssyncadd.s32 $0xFFFFFFFF  }
0xa8: {  	s26 =	simm.s32 $execute0_lowered;
	[smem:$0x3FD2] =	sst s25  }
0xa9: {  	s8 =	sshll.u32 s26, $0x1;
	_ =	strace $0x80000046;
	[dreg:$0x1] =	wrdreg $0xFFFFFFFF  }
0xaa: {  	s28 =	simm.s32 $_size_execute0_lowered;
	s6 =	sadd.s32 s6, s8;
	[dreg:$0x0] =	wrdreg $0x0  }
0xab: {  	s8 =	sshll.u32 s28, $0x1;
	[dreg:$0x2] =	wrdreg s6  }
0xac: {  	[dreg:$0x3] =	wrdreg s8  }
0xad: {  	[dreg:$0x4] =	wrdreg $0xC0  }
0xae: {  	_ =	task [dreg:s10], $0x5FFFF  }
0xaf: {  	[dreg:$0x1] =	wrdreg $0xFFFFFFFF  }
0xb0: {  	[dreg:$0x0] =	wrdreg $0x60  }
0xb1: {  	[dreg:$0x2] =	wrdreg s2  }
0xb2: {  	[dreg:$0x3] =	wrdreg s18  }
0xb3: {  	[dreg:$0x4] =	wrdreg s4  }
0xb4: {  	[dreg:$0x5] =	wrdreg s5  }
0xb5: {  	[dreg:$0x6] =	wrdreg s24  }
0xb6: {  	[dreg:$0x7] =	wrdreg $0x9  }
0xb7: {  	_ =	task.clear_ibuf [dreg:s10], $0x8FFFF;
	_ =	strace $0x90000046  }
0xb8: {  	s29 =	simm.s32 $0x9;
	_ =	strace $0x80000048  }
0xb9: {  	_ =	swait.ge [sflag:s29], $0x1  }
0xba: {  	[sflag:s29] =	ssyncadd.s32 $0xFFFFFFFF  }
0xbb: {  	_ =	strace $0x90000048  }
0xbc: {  	_ =	sfence  }
0xbd: {  	s30 =	sld [smem:$0x0];
	_ =	sdelay $0x2  }
0xbe: {  	s31 =	sshll.u32 s1, $0xD;
	s1 =	sshrl.u32 s1, $0x2  }
0xbf: {  	s3 =	sand.u32 $0x4000, s31;
	s1 =	sadd.s32 s1, s30  }
0xc0: {  	s0 =	sor.u32 s3, s0;
	s1 =	sshll.u32 s1, $0x11  }
0xc1: {  	s0 =	sor.u32 s1, s0  }
0xc2: {  	s0 =	sadd.s32 $0x8F2B, s0  }
0xc3: {  	[sflag:s0] =	ssyncadd.remote.s32 $0x1  }
0xc4: {  	_ =	sfence.sel $0xFFFF  }
0xc5: {  	[dreg:$0x0] =	wrdreg $0xFFFFFFFF;
	(pc) =	sbr.abs _section_cstart, $3  }
0xc6: {  	[dreg:$0x1] =	wrdreg $0xFFFFFFFF  }
0xc7: {  	_ =	task.clear_ibuf [dreg:s10], $0x2FFFF;
	_ =	strace $0x9FFFFFFF  }
0xc8: {  	(tm) =	ssettm $0x7FFFFFFF  }
0xc9: {  	_ =	shalt  }
tec
execute0_lowered:
.L_overlay_start_1:
0x0: {  	(tag) =	ssettag $0x1  }
0x1: {  	s1 =	srdreg.scid  }
0x2: {  	s6 =	sand.u32 $0x1, s1;
	s1 =	stileid.u32  }
0x3: {  	s9 =	sshll.u32 s1, $0x4;
	s10 =	sshll.u32 s6, $0x3  }
0x4: {  	s7 =	rddreg [dreg:$0x0];
	s9 =	sor.u32 s10, s9  }
0x5: {  	s0 =	rddreg [dreg:$0x1];
	p0 =	sgt.u32 s9, $0xC7  }
.Ltmp0:
0x6: {  	s2 =	rddreg [dreg:$0x2];
	(pc) =	sbr.rel @p0 .LBB2_5-.Ltmp0, $4  }
0x7: {  	s4 =	rddreg [dreg:$0x3]  }
0x8: {  	s8 =	rddreg [dreg:$0x4];
	s5 =	simm.s32 $0x0  }
0x9: {  	[smem:$0x7FF] =	sst s5  }
0xa: {  	s3 =	rddreg [dreg:$0x5];
	_ =	strace $0x80000047  }
0xb: {  	s10 =	sshll.u32 s9, $0x4;
	s11 =	ssub.s32 $0x2, s6  }
0xc: {  	s31 =	sshll.u32 s9, $0x9;
	s9 =	simm.s32 $0x400;
	s12 =	simm.s32 $0x1  }
0xd: {  	s13 =	simm.s32 $0x7A1400;
	s14 =	simm.s32 $0x580;
	s15 =	simm.s32 $0x2580  }
0xe: {  	s16 =	simm.s32 $0x4580;
	s17 =	simm.s32 $0x6580;
	s18 =	simm.s32 $0x8580  }
0xf: {  	s19 =	simm.s32 $0xA580;
	s20 =	simm.s32 $0xC580;
	s21 =	simm.s32 $0xE580  }
0x10: {  	v2 =	vlaneseq.u32;
	s22 =	simm.s32 $0x10580;
	s23 =	simm.s32 $0x3;
	s24 =	simm.s32 $0x0  }
0x11: {  	s29 =	sadd.s32 s10, s8;
	s30 =	sshrl.u32 s11, $0x1;
	s7 =	sadd.s32 s31, s7;
	v0 =	vmul.u32 $0x80, v2  }
0x12: {  	s10 =	simm.s32 $0x500;
	s6 =	sadd.s32 $0x400, s29;
	s8 =	ssub.s32 s11, s30  }
0x13: {  	v2 =	vmul.u32 $0x2000, v2;
	s7 =	sadd.s32 $0xF80, s7;
	s11 =	simm.s32 $0x2;
	s8 =	smax.u32 s8, $0x1;
	v1 =	vor.u32 $0x7F, v0;
	v3 =	vor.u32 $0x1, v0  }
.LBB2_2:
0x14: {  	s25 =	simm.s32 $0x0  }
0x15: {  	[tilespmem:s25], [sflag:$0x2] =	stream.linear.gather [hbm4b:s7+s25], $0x400, $0x38;
	[tilespmem:$0x10980] =	vst v63  }
0x16: {  	_ = 	snop  }
0x17: {  	[tilespmem:s9], [sflag:$0x2] =	stream.linear.gather [hbm4b:s2+s25], $0x100, $0x38;
	[tilespmem:$0x10980] =	vst v63  }
0x18: {  	_ = 	snop  }
0x19: {  	[tilespmem:s10], [sflag:$0x2] =	stream.linear.gather [hbm4b:s4+s25], $0x2, $0x38;
	[tilespmem:$0x10980] =	vst v63  }
0x1a: {  	_ =	swait.ge [sflag:s11], $0x400  }
0x1b: {  	[sflag:s11] =	ssyncset.done $0x0  }
0x1c: {  	[sflag:s11] =	ssyncadd.s32 $0xFFFFFC00  }
0x1d: {  	v4 =	vld.idx.msk [tilespmem:v1+s25+$0x0], $0xff;
	_ =	sdelay $0x4  }
0x1e: {  	(v2sf) =	vpush v4, $0x0;
	_ =	sdelay $0x5  }
0x1f: {  	(v2sf) =	vpush v4, $0x1;
	_ =	sdelay $0x8  }
0x20: {  	s26 =	spop (v2sf)  }
0x21: {  	(v2sf) =	vpush v4, $0x2;
	s28 =	sand.u32 $0x7F, s26  }
0x22: {  	s30 =	sshra.s32 s26, $0x1F;
	p1 =	slt.s32 s26, $0x1;
	p0 =	sne.s32 s28, $0x0  }
0x23: {  	s28 =	sshrl.u32 s30, $0x19;
	p0 =	por !p1, !p0  }
0x24: {  	s26 =	sadd.s32 s28, s26;
	s28 =	simm.s32 $0x1;
	p0 =	por !p0, !p0  }
0x25: {  	s26 =	sshrl.u32 s26, $0x7;
	s28 =	simm.s32 @!p0 $0x0  }
0x26: {  	s31 =	spop (v2sf);
	s26 =	ssub.s32 s26, s28  }
0x27: {  	s29 =	sand.u32 $0x7F, s31;
	s30 =	sshra.s32 s31, $0x1F;
	s26 =	sshll.u32 s26, $0x7  }
0x28: {  	(v2sf) =	vpush v4, $0x3;
	p6 =	slt.s32 s31, $0x1;
	p5 =	sne.s32 s29, $0x0;
	s26 =	sand.u32 $0x1FFFFF80, s26  }
0x29: {  	p0 =	por !p6, !p5;
	s28 =	sshrl.u32 s30, $0x19;
	s26 =	sadd.s32 s0, s26  }
0x2a: {  	[tilespmem:s14], [sflag:$0x1] =	stream.strided.gather [hbm4b:s26+s9], $0x2000, s13, s9, $0x38;
	[tilespmem:$0x10980] =	vst v63  }
0x2b: {  	p0 =	por !p0, !p0;
	s26 =	sadd.s32 s28, s31;
	s28 =	simm.s32 $0x1  }
0x2c: {  	s26 =	sshrl.u32 s26, $0x7;
	s28 =	simm.s32 @!p0 $0x0  }
0x2d: {  	s26 =	ssub.s32 s26, s28  }
0x2e: {  	s26 =	sshll.u32 s26, $0x7  }
0x2f: {  	s26 =	sand.u32 $0x1FFFFF80, s26  }
0x30: {  	s26 =	sadd.s32 s0, s26;
	s31 =	spop (v2sf)  }
0x31: {  	[tilespmem:s15], [sflag:$0x1] =	stream.strided.gather [hbm4b:s26+s9], $0x2000, s13, s9, $0x38;
	[tilespmem:$0x10980] =	vst v63  }
0x32: {  	(v2sf) =	vpush v4, $0x4;
	s29 =	sand.u32 $0x7F, s31  }
0x33: {  	s30 =	sshra.s32 s31, $0x1F;
	p2 =	slt.s32 s31, $0x1;
	p1 =	sne.s32 s29, $0x0  }
0x34: {  	s28 =	sshrl.u32 s30, $0x19;
	p0 =	por !p2, !p1  }
0x35: {  	s26 =	sadd.s32 s28, s31;
	s28 =	simm.s32 $0x1;
	p0 =	por !p0, !p0  }
0x36: {  	s26 =	sshrl.u32 s26, $0x7;
	s28 =	simm.s32 @!p0 $0x0  }
0x37: {  	s31 =	spop (v2sf);
	s26 =	ssub.s32 s26, s28  }
0x38: {  	s29 =	sand.u32 $0x7F, s31;
	s30 =	sshra.s32 s31, $0x1F;
	s26 =	sshll.u32 s26, $0x7  }
0x39: {  	(v2sf) =	vpush v4, $0x5;
	p4 =	slt.s32 s31, $0x1;
	p3 =	sne.s32 s29, $0x0;
	s26 =	sand.u32 $0x1FFFFF80, s26  }
0x3a: {  	s28 =	sshrl.u32 s30, $0x19;
	p0 =	por !p4, !p3;
	s26 =	sadd.s32 s0, s26  }
0x3b: {  	[tilespmem:s16], [sflag:$0x1] =	stream.strided.gather [hbm4b:s26+s9], $0x2000, s13, s9, $0x38;
	[tilespmem:$0x10980] =	vst v63  }
0x3c: {  	p0 =	por !p0, !p0;
	s26 =	sadd.s32 s28, s31;
	s28 =	simm.s32 $0x1  }
0x3d: {  	s26 =	sshrl.u32 s26, $0x7;
	s28 =	simm.s32 @!p0 $0x0  }
0x3e: {  	s26 =	ssub.s32 s26, s28  }
0x3f: {  	s26 =	sshll.u32 s26, $0x7  }
0x40: {  	s26 =	sand.u32 $0x1FFFFF80, s26  }
0x41: {  	s26 =	sadd.s32 s0, s26;
	s31 =	spop (v2sf)  }
0x42: {  	[tilespmem:s17], [sflag:$0x1] =	stream.strided.gather [hbm4b:s26+s9], $0x2000, s13, s9, $0x38;
	[tilespmem:$0x10980] =	vst v63  }
0x43: {  	(v2sf) =	vpush v4, $0x6;
	s29 =	sand.u32 $0x7F, s31  }
0x44: {  	s30 =	sshra.s32 s31, $0x1F;
	p6 =	slt.s32 s31, $0x1;
	p5 =	sne.s32 s29, $0x0  }
0x45: {  	s28 =	sshrl.u32 s30, $0x19;
	p0 =	por !p6, !p5  }
0x46: {  	s26 =	sadd.s32 s28, s31;
	s28 =	simm.s32 $0x1;
	p0 =	por !p0, !p0  }
0x47: {  	s26 =	sshrl.u32 s26, $0x7;
	s28 =	simm.s32 @!p0 $0x0  }
0x48: {  	s31 =	spop (v2sf);
	s26 =	ssub.s32 s26, s28  }
0x49: {  	s29 =	sand.u32 $0x7F, s31;
	s30 =	sshra.s32 s31, $0x1F;
	s26 =	sshll.u32 s26, $0x7  }
0x4a: {  	(v2sf) =	vpush v4, $0x7;
	p2 =	slt.s32 s31, $0x1;
	p1 =	sne.s32 s29, $0x0;
	s26 =	sand.u32 $0x1FFFFF80, s26  }
0x4b: {  	s28 =	sshrl.u32 s30, $0x19;
	p0 =	por !p2, !p1;
	s26 =	sadd.s32 s0, s26  }
0x4c: {  	[tilespmem:s18], [sflag:$0x1] =	stream.strided.gather [hbm4b:s26+s9], $0x2000, s13, s9, $0x38;
	[tilespmem:$0x10980] =	vst v63  }
0x4d: {  	p0 =	por !p0, !p0;
	s26 =	sadd.s32 s28, s31;
	s28 =	simm.s32 $0x1  }
0x4e: {  	s26 =	sshrl.u32 s26, $0x7;
	s28 =	simm.s32 @!p0 $0x0  }
0x4f: {  	s26 =	ssub.s32 s26, s28  }
0x50: {  	s26 =	sshll.u32 s26, $0x7  }
0x51: {  	s26 =	sand.u32 $0x1FFFFF80, s26  }
0x52: {  	s31 =	spop (v2sf);
	s26 =	sadd.s32 s0, s26  }
0x53: {  	[tilespmem:s19], [sflag:$0x1] =	stream.strided.gather [hbm4b:s26+s9], $0x2000, s13, s9, $0x38;
	[tilespmem:$0x10980] =	vst v63  }
0x54: {  	s29 =	sand.u32 $0x7F, s31  }
0x55: {  	s30 =	sshra.s32 s31, $0x1F;
	p4 =	slt.s32 s31, $0x1;
	p3 =	sne.s32 s29, $0x0  }
0x56: {  	s26 =	sshrl.u32 s30, $0x19;
	p0 =	por !p4, !p3  }
0x57: {  	s28 =	simm.s32 $0x1;
	s26 =	sadd.s32 s26, s31;
	p0 =	por !p0, !p0  }
0x58: {  	s26 =	sshrl.u32 s26, $0x7;
	s28 =	simm.s32 @!p0 $0x0  }
0x59: {  	s31 =	spop (v2sf);
	s26 =	ssub.s32 s26, s28  }
0x5a: {  	s29 =	sand.u32 $0x7F, s31;
	s30 =	sshra.s32 s31, $0x1F;
	s26 =	sshll.u32 s26, $0x7  }
0x5b: {  	p6 =	slt.s32 s31, $0x1;
	p5 =	sne.s32 s29, $0x0;
	s26 =	sand.u32 $0x1FFFFF80, s26  }
0x5c: {  	s28 =	sshrl.u32 s30, $0x19;
	p0 =	por !p6, !p5;
	s26 =	sadd.s32 s0, s26  }
0x5d: {  	[tilespmem:s20], [sflag:$0x1] =	stream.strided.gather [hbm4b:s26+s9], $0x2000, s13, s9, $0x38;
	[tilespmem:$0x10980] =	vst v63  }
0x5e: {  	p0 =	por !p0, !p0;
	s26 =	sadd.s32 s28, s31;
	s28 =	simm.s32 $0x1  }
0x5f: {  	s26 =	sshrl.u32 s26, $0x7;
	s28 =	simm.s32 @!p0 $0x0  }
0x60: {  	s26 =	ssub.s32 s26, s28  }
0x61: {  	s26 =	sshll.u32 s26, $0x7  }
0x62: {  	s26 =	sand.u32 $0x1FFFFF80, s26  }
0x63: {  	s26 =	sadd.s32 s0, s26  }
0x64: {  	[tilespmem:s21], [sflag:$0x1] =	stream.strided.gather [hbm4b:s26+s9], $0x2000, s13, s9, $0x38;
	[tilespmem:$0x10980] =	vst v63  }
0x65: {  	_ =	swait.ge [sflag:s11], $0x100  }
0x66: {  	[sflag:s11] =	ssyncset.done $0x0  }
0x67: {  	[sflag:s11] =	ssyncadd.s32 $0xFFFFFF00  }
0x68: {  	_ =	swait.ge [sflag:s11], $0x2  }
0x69: {  	[sflag:s11] =	ssyncset.done $0x0  }
0x6a: {  	[sflag:s11] =	ssyncadd.s32 $0xFFFFFFFE  }
0x6b: {  	_ =	swait.ge [sflag:s12], $0x2000  }
0x6c: {  	[sflag:s12] =	ssyncset.done $0x0  }
0x6d: {  	[sflag:s12] =	ssyncadd.s32 $0xFFFFE000  }
0x6e: {  	_ =	swait.ge [sflag:s12], $0x2000  }
0x6f: {  	[sflag:s12] =	ssyncset.done $0x0  }
0x70: {  	[sflag:s12] =	ssyncadd.s32 $0xFFFFE000  }
0x71: {  	_ =	swait.ge [sflag:s12], $0x2000  }
0x72: {  	[sflag:s12] =	ssyncset.done $0x0  }
0x73: {  	[sflag:s12] =	ssyncadd.s32 $0xFFFFE000  }
0x74: {  	_ =	swait.ge [sflag:s12], $0x2000  }
0x75: {  	[sflag:s12] =	ssyncset.done $0x0  }
0x76: {  	[sflag:s12] =	ssyncadd.s32 $0xFFFFE000  }
0x77: {  	_ =	swait.ge [sflag:s12], $0x2000  }
0x78: {  	[sflag:s12] =	ssyncset.done $0x0  }
0x79: {  	[sflag:s12] =	ssyncadd.s32 $0xFFFFE000  }
0x7a: {  	_ =	swait.ge [sflag:s12], $0x2000  }
0x7b: {  	[sflag:s12] =	ssyncset.done $0x0  }
0x7c: {  	[sflag:s12] =	ssyncadd.s32 $0xFFFFE000  }
0x7d: {  	v6 =	vmov s25;
	v4 =	vand.u32 $0x7F, v4;
	_ =	swait.ge [sflag:s12], $0x2000  }
0x7e: {  	v7 =	vor.u32 $0x80, v6;
	v5 =	vor.u32 v2, v4;
	v4 =	vshll.u32 v6, $0x7;
	[sflag:s12] =	ssyncset.done $0x0  }
0x7f: {  	v8 =	vadd.s32 v5, v4;
	[sflag:s12] =	ssyncadd.s32 $0xFFFFE000  }
0x80: {  	_ =	swait.ge [sflag:s12], $0x2000  }
0x81: {  	s31 =	simm.s32 $0x1;
	[sflag:s12] =	ssyncset.done $0x0  }
0x82: {  	v10 =	vmov s31;
	[sflag:s12] =	ssyncadd.s32 $0xFFFFE000  }
0x83: {  	v11 =	vshll.u32 v10, $0x7;
	v12 =	vor.u32 $0x80, v10;
	v7 =	vld.idx.msk [tilespmem:v7+s9+$0x0], $0xffff  }
0x84: {  	v13 =	vadd.s32 v5, v11;
	v8 =	vld.idx.msk [tilespmem:v8+s14+$0x0], $0xff  }
0x85: {  	v9 =	vld.idx.msk [tilespmem:v6+s9+$0x0], $0xffff  }
0x86: {  	v4 =	vld [tilespmem:$0x500]  }
0x87: {  	s25 =	simm.s32 $0x2;
	v11 =	vimm.f32 $0.0e+00;
	v6 =	vimm.f32 $0.0e+00;
	v10 =	vld.idx.msk [tilespmem:v10+s9+$0x0], $0xffff  }
.LBB2_3:
0x88: {  	v14 =	vmov s25;
	p0 =	sne.s32 s25, $0x3F;
	s25 =	sadd.s32 $0x1, s25;
	v15 =	vmov v7;
	v7 =	vld.idx.msk [tilespmem:v12+s9+$0x0], $0xffff  }
.Ltmp1:
0x89: {  	v17 =	vmovc v8;
	v16 =	vshll.u32 v14, $0x7;
	v12 =	vor.u32 $0x80, v14;
	v15 =	vmul.f32 v15, v8;
	v8 =	vld.idx.msk [tilespmem:v13+s14+$0x0], $0xff;
	(pc) =	sbr.rel @p0 .LBB2_3-.Ltmp1, $4  }
0x8a: {  	v13 =	vadd.s32 v5, v16;
	v16 =	vmul.f32 v9, v17  }
0x8b: {  	v6 =	vadd.f32 v15, v6  }
0x8c: {  	v11 =	vadd.f32 v16, v11  }
0x8d: {  	v9 =	vmov v10;
	v10 =	vld.idx.msk [tilespmem:v14+s9+$0x0], $0xffff  }
0x8e: {  	_ =	sdelay $0x3  }
0x8f: {  	v5 =	vld.idx.msk [tilespmem:v13+s14+$0x0], $0xff  }
0x90: {  	v12 =	vld.idx.msk [tilespmem:v12+s9+$0x0], $0xffff;
	_ =	sdelay $0x1  }
0x91: {  	v9 =	vmul.f32 v9, v8  }
0x92: {  	v7 =	vmul.f32 v7, v8  }
0x93: {  	v59 =	vadd.f32 v9, v11;
	v60 =	vmul.f32 v10, v5  }
0x94: {  	v6 =	vadd.f32 v7, v6;
	v5 =	vmul.f32 v12, v5  }
0x95: {  	v62 =	vbroadcast v4, $0x0;
	v61 =	vadd.f32 v60, v59  }
0x96: {  	v4 =	vbroadcast v4, $0x1;
	v5 =	vadd.f32 v5, v6  }
0x97: {  	v63 =	vadd.f32 v61, v62  }
0x98: {  	s24 =	sadd.s32 $0x1, s24;
	v4 =	vadd.f32 v5, v4  }
0x99: {  	p0 =	sne.s32 s24, s8;
	[tilespmem:v0+s22+$0x0] =	vst.idx.msk $0xff, v63  }
.Ltmp2:
0x9a: {  	[tilespmem:v3+s22+$0x0] =	vst.idx.msk $0xff, v4;
	(pc) =	sbr.rel @p0 .LBB2_2-.Ltmp2, $4  }
0x9b: {  	[hbm4b:s6+s5] =	stream.linear.scatter [tilespmem:s22], [sflag:$0x3], $0x400, $0x38;
	[tilespmem:$0x10980] =	vst v63  }
0x9c: {  	_ =	swait.ge [sflag:s23], $0x400  }
0x9d: {  	[sflag:s23] =	ssyncset.done $0x0  }
0x9e: {  	[sflag:s23] =	ssyncadd.s32 $0xFFFFFC00  }
.LBB2_5:
0x9f: {  	_ =	sfence.sel $0x180000  }
0xa0: {  	[bflag:$0x0] =	sbarrier.arrive $0xFFFF  }
0xa1: {  	p0 =	sne.s32 s1, $0x0;
	_ =	strace $0x90000047  }
0xa2: {  	s0 =	sadd.s32 @!p0 $0x100000, s3;
	[bflag:$0x2] =	sbarrier.arrive $0xFFFF  }
0xa3: {  	[sflag:s0] =	ssyncadd.tile.s32 @!p0 $0x1;
	_ =	shalt  }
.Lfunc_end2:
_tile_overlayer_lowered:
.L_overlay_start_2:
0xa4: {  	(tag) =	ssettag $0x2  }
0xa5: {  	s0 =	rddreg [dreg:$0x0];
	s2 =	stileid.u32  }
0xa6: {  	s1 =	rddreg [dreg:$0x1];
	p0 =	sne.s32 s2, $0x0  }
0xa7: {  	s3 =	rddreg [dreg:$0x2];
	[bflag:$0x3] =	sbarrier.arrive $0xFFFF;
	s2 =	simm.s32 @!p0 $0x1C03  }
0xa8: {  	[timem:s3], [sflag:s2] =	dma.local @!p0 [hbm:s0], s1  }
0xa9: {  	s0 =	simm.s32 @!p0 $0x3  }
0xaa: {  	_ =	swait.ge @!p0 [sflag:s0], s1  }
0xab: {  	s1 =	ssub.s32 @!p0 $0x0, s1;
	[sflag:s0] =	ssyncset.done @!p0 $0x0  }
0xac: {  	[sflag:s0] =	ssyncadd.s32 @!p0 s1  }
0xad: {  	[bflag:$0x3] =	sbarrier.arrive $0xFFFF  }
0xae: {  	_ =	shalt  }

</sc_bundles>
